<compile_context>
chip_gen: v7x
topology: tpu7x:2x2x1
jax: 0.10.2.dev20260603
libtpu: 0.0.44.dev20260713+nightly
codegen_flags: <defaults>
</compile_context>

<pallas_src>
import functools

import jax
import jax.numpy as jnp
from jax import lax
from jax.experimental import pallas as pl
from jax.experimental.pallas import tpu as pltpu
from jax.experimental.pallas import tpu_sc as plsc

N = 10000
E = 320000
D = 128
NC = 2
NS = 16
NW = NC * NS
EW = E // NW
C = 80
NCH = EW // C
NP = 10112
RROWS = NP // NS
XS = 10240

BN = 1000
BE = 512

_HI = lax.Precision.HIGHEST

_sc_mesh = plsc.VectorSubcoreMesh(core_axis_name="c", subcore_axis_name="s")


def _pre_body(h_ref, wa_ref, wb_ref, be1_ref, t1_ref, t2_ref):
    hb = h_ref[...]
    t1_ref[...] = jnp.dot(hb, wa_ref[...], precision=_HI) + be1_ref[...]
    t2_ref[...] = jnp.dot(hb, wb_ref[...], precision=_HI)


def _node_pre(h, wa, wb, be1):
    return pl.pallas_call(
        _pre_body,
        grid=(N // BN,),
        in_specs=[
            pl.BlockSpec((BN, D), lambda i: (i, 0)),
            pl.BlockSpec((D, D), lambda i: (0, 0)),
            pl.BlockSpec((D, D), lambda i: (0, 0)),
            pl.BlockSpec((1, D), lambda i: (0, 0)),
        ],
        out_specs=[
            pl.BlockSpec((BN, D), lambda i: (i, 0)),
            pl.BlockSpec((BN, D), lambda i: (i, 0)),
        ],
        out_shape=[
            jax.ShapeDtypeStruct((N, D), jnp.float32),
            jax.ShapeDtypeStruct((N, D), jnp.float32),
        ],
    )(h, wa, wb, be1)


@functools.partial(
    pl.kernel,
    out_type=(
        jax.ShapeDtypeStruct((E, D), jnp.float32),
        jax.ShapeDtypeStruct((E, D), jnp.float32),
        jax.ShapeDtypeStruct((E,), jnp.float32),
        jax.ShapeDtypeStruct((E,), jnp.float32),
        jax.ShapeDtypeStruct((E,), jnp.float32),
    ),
    mesh=_sc_mesh,
    compiler_params=pltpu.CompilerParams(needs_layout_passes=False),
    scratch_types=[
        pltpu.VMEM((C,), jnp.int32),
        pltpu.VMEM((C,), jnp.int32),
        pltpu.VMEM((C, D), jnp.float32),
        pltpu.VMEM((C, D), jnp.float32),
        pltpu.VMEM((3 * XS,), jnp.float32),
        pltpu.VMEM((C,), jnp.float32),
        pltpu.VMEM((C,), jnp.float32),
        pltpu.VMEM((C,), jnp.float32),
        pltpu.SemaphoreType.DMA,
        pltpu.SemaphoreType.DMA,
    ],
)
def _sc_gather(t1_hbm, t2_hbm, xf_hbm, row_hbm, col_hbm,
               br_hbm, bc_hbm, d0_hbm, d1_hbm, d2_hbm,
               idxr, idxc, b1, b2, xt, bd0, bd1, bd2, s1, s2):
    wid = lax.axis_index("s") * NC + lax.axis_index("c")
    base0 = wid * EW

    pltpu.sync_copy(xf_hbm, xt)

    @pl.loop(0, NCH)
    def _chunk(j):
        base = base0 + j * C
        pltpu.sync_copy(row_hbm.at[pl.ds(base, C)], idxr)
        pltpu.sync_copy(col_hbm.at[pl.ds(base, C)], idxc)
        cp1 = pltpu.async_copy(t1_hbm.at[idxr], b1, s1)
        cp2 = pltpu.async_copy(t2_hbm.at[idxc], b2, s2)

        @pl.loop(0, C // 16)
        def _grp(k):
            sl = pl.ds(k * 16, 16)
            ir = idxr[sl]
            ic = idxc[sl]
            bd0[sl] = plsc.load_gather(xt, [ir]) - plsc.load_gather(xt, [ic])
            ir1 = ir + XS
            ic1 = ic + XS
            bd1[sl] = plsc.load_gather(xt, [ir1]) - plsc.load_gather(xt, [ic1])
            ir2 = ir1 + XS
            ic2 = ic1 + XS
            bd2[sl] = plsc.load_gather(xt, [ir2]) - plsc.load_gather(xt, [ic2])

        cp1.wait()
        cp2.wait()
        pltpu.sync_copy(b1, br_hbm.at[pl.ds(base, C)])
        pltpu.sync_copy(b2, bc_hbm.at[pl.ds(base, C)])
        pltpu.sync_copy(bd0, d0_hbm.at[pl.ds(base, C)])
        pltpu.sync_copy(bd1, d1_hbm.at[pl.ds(base, C)])
        pltpu.sync_copy(bd2, d2_hbm.at[pl.ds(base, C)])


def _edge_body(br_ref, bc_ref, d0_ref, d1_ref, d2_ref, ea_ref,
               b3_ref, wd_ref, we_ref, we2_ref, be2_ref,
               wc1_ref, bc1_ref, wc2_ref,
               m_ref, t_ref):
    d0r = d0_ref[...].reshape(1, BE)
    d1r = d1_ref[...].reshape(1, BE)
    d2r = d2_ref[...].reshape(1, BE)
    dr3 = jnp.concatenate([d0r, d1r, d2r], axis=0)
    d16 = lax.dot_general(dr3, b3_ref[...], (((0,), (0,)), ((), ())),
                          precision=_HI)
    ds = jnp.sum(d16 * d16, axis=1, keepdims=True)
    pre = (br_ref[...] + bc_ref[...] + ds * wd_ref[...]
           + jnp.dot(ea_ref[...], we_ref[...], precision=_HI))
    m1 = jax.nn.silu(pre)
    m2 = jax.nn.silu(jnp.dot(m1, we2_ref[...]) + be2_ref[...])
    mc = jax.nn.silu(jnp.dot(m2, wc1_ref[...]) + bc1_ref[...])
    w = lax.dot_general(mc, wc2_ref[...], (((1,), (1,)), ((), ())),
                        precision=_HI)
    s = jnp.tanh(w) / (jnp.sqrt(ds + 1e-08) + 1e-08)
    m_ref[...] = m2
    t_ref[...] = jnp.concatenate(
        [d16 * s, jnp.zeros((BE, D - 16), jnp.float32)], axis=1)


def _edge_mlp(br, bc, d0, d1, d2, ea, b3, wd, we, we2, be2, wc1, bc1, wc2):
    return pl.pallas_call(
        _edge_body,
        grid=(E // BE,),
        in_specs=[
            pl.BlockSpec((BE, D), lambda i: (i, 0)),
            pl.BlockSpec((BE, D), lambda i: (i, 0)),
            pl.BlockSpec((BE,), lambda i: (i,)),
            pl.BlockSpec((BE,), lambda i: (i,)),
            pl.BlockSpec((BE,), lambda i: (i,)),
            pl.BlockSpec((BE, 16), lambda i: (i, 0)),
            pl.BlockSpec((3, 16), lambda i: (0, 0)),
            pl.BlockSpec((1, D), lambda i: (0, 0)),
            pl.BlockSpec((16, D), lambda i: (0, 0)),
            pl.BlockSpec((D, D), lambda i: (0, 0)),
            pl.BlockSpec((1, D), lambda i: (0, 0)),
            pl.BlockSpec((D, D), lambda i: (0, 0)),
            pl.BlockSpec((1, D), lambda i: (0, 0)),
            pl.BlockSpec((1, D), lambda i: (0, 0)),
        ],
        out_specs=[
            pl.BlockSpec((BE, D), lambda i: (i, 0)),
            pl.BlockSpec((BE, D), lambda i: (i, 0)),
        ],
        out_shape=[
            jax.ShapeDtypeStruct((E, D), jnp.float32),
            jax.ShapeDtypeStruct((E, D), jnp.float32),
        ],
    )(br, bc, d0, d1, d2, ea, b3, wd, we, we2, be2, wc1, bc1, wc2)


@functools.partial(
    pl.kernel,
    out_type=(
        jax.ShapeDtypeStruct((NC, NP, D), jnp.float32),
        jax.ShapeDtypeStruct((NC, NP, D), jnp.float32),
    ),
    mesh=_sc_mesh,
    compiler_params=pltpu.CompilerParams(needs_layout_passes=False),
    scratch_types=[
        pltpu.VMEM((C,), jnp.int32),
        pltpu.VMEM((C, D), jnp.float32),
        pltpu.VMEM_SHARED((NP, D), jnp.float32),
    ],
)
def _sc_scatter(m_hbm, t_hbm, row_hbm, zeros_hbm, pm_hbm, pt_hbm,
                idx, buf, acc):
    c = lax.axis_index("c")
    s = lax.axis_index("s")
    slab = pl.ds(s * RROWS, RROWS)
    base0 = (s * NC + c) * EW

    pltpu.sync_copy(zeros_hbm.at[slab], acc.at[slab])
    plsc.subcore_barrier()

    @pl.loop(0, NCH)
    def _mchunk(j):
        base = base0 + j * C
        pltpu.sync_copy(row_hbm.at[pl.ds(base, C)], idx)
        pltpu.sync_copy(m_hbm.at[pl.ds(base, C)], buf)
        pltpu.sync_copy(buf, acc.at[idx], add=True)

    plsc.subcore_barrier()
    pltpu.sync_copy(acc.at[slab], pm_hbm.at[c, slab])
    pltpu.sync_copy(zeros_hbm.at[slab], acc.at[slab])
    plsc.subcore_barrier()

    @pl.loop(0, NCH)
    def _tchunk(j):
        base = base0 + j * C
        pltpu.sync_copy(row_hbm.at[pl.ds(base, C)], idx)
        pltpu.sync_copy(t_hbm.at[pl.ds(base, C)], buf)
        pltpu.sync_copy(buf, acc.at[idx], add=True)

    plsc.subcore_barrier()
    pltpu.sync_copy(acc.at[slab], pt_hbm.at[c, slab])


def _node_body(h_ref, xp_ref, pm_ref, pt_ref,
               wn1h_ref, wn1m_ref, bn1_ref, wn2_ref, bn2_ref,
               hn_ref, xn_ref):
    hb = h_ref[...]
    aggm = pm_ref[0] + pm_ref[1]
    aggt = pt_ref[0] + pt_ref[1]
    u = jax.nn.silu(jnp.dot(hb, wn1h_ref[...], precision=_HI)
                    + jnp.dot(aggm, wn1m_ref[...], precision=_HI)
                    + bn1_ref[...])
    hn_ref[...] = hb + jnp.dot(u, wn2_ref[...], precision=_HI) + bn2_ref[...]
    xn_ref[...] = xp_ref[...] + aggt[:, :16]


def _node_mlp(h, xp, pm, pt, wn1h, wn1m, bn1, wn2, bn2):
    return pl.pallas_call(
        _node_body,
        grid=(N // BN,),
        in_specs=[
            pl.BlockSpec((BN, D), lambda i: (i, 0)),
            pl.BlockSpec((BN, 16), lambda i: (i, 0)),
            pl.BlockSpec((NC, BN, D), lambda i: (0, i, 0)),
            pl.BlockSpec((NC, BN, D), lambda i: (0, i, 0)),
            pl.BlockSpec((D, D), lambda i: (0, 0)),
            pl.BlockSpec((D, D), lambda i: (0, 0)),
            pl.BlockSpec((1, D), lambda i: (0, 0)),
            pl.BlockSpec((D, D), lambda i: (0, 0)),
            pl.BlockSpec((1, D), lambda i: (0, 0)),
        ],
        out_specs=[
            pl.BlockSpec((BN, D), lambda i: (i, 0)),
            pl.BlockSpec((BN, 16), lambda i: (i, 0)),
        ],
        out_shape=[
            jax.ShapeDtypeStruct((N, D), jnp.float32),
            jax.ShapeDtypeStruct((N, 16), jnp.float32),
        ],
    )(h, xp, pm, pt, wn1h, wn1m, bn1, wn2, bn2)


def kernel(h, x, edge_index, edge_attr,
           We1, be1, We2, be2, Wc1, bc1, Wc2, Wn1, bn1, Wn2, bn2):
    row = edge_index[0].astype(jnp.int32)
    col = edge_index[1].astype(jnp.int32)
    xf = jnp.pad(x.T, ((0, 0), (0, XS - N))).reshape(-1)
    xp = jnp.pad(x, ((0, 0), (0, 13)))

    wa = We1[:D]
    wb = We1[D:2 * D]
    wd = We1[2 * D:2 * D + 1]
    we = We1[2 * D + 1:]
    b3 = jnp.eye(3, 16, dtype=jnp.float32)

    t1, t2 = _node_pre(h, wa, wb, be1.reshape(1, D))
    br, bc, d0, d1, d2 = _sc_gather(t1, t2, xf, row, col)
    m_ij, tt = _edge_mlp(br, bc, d0, d1, d2, edge_attr, b3,
                         wd, we, We2, be2.reshape(1, D),
                         Wc1, bc1.reshape(1, D), Wc2.reshape(1, D))

    zeros = jnp.zeros((NP, D), jnp.float32)
    pm, pt = _sc_scatter(m_ij, tt, row, zeros)

    hn, xn = _node_mlp(h, xp, pm, pt,
                       Wn1[:D], Wn1[D:], bn1.reshape(1, D),
                       Wn2, bn2.reshape(1, D))
    return hn, xn[:, :3]

# --- scband reference (transcript-rebuilt; emitter-appended) ---
"""Pipeline reference for scband-egnnlayer-420906795769 (READ-ONLY COPY).

The authoritative reference and input builder live on the scoring server;
editing this copy changes nothing except your own understanding.
"""

import jax, jax.numpy as jnp
import numpy as np

NODE_DIM = 128
EDGE_DIM = 16
HIDDEN = 128
N = 10000
E = 320000


def _linear_params(key, fan_in, fan_out, bias=True):
    k1, k2 = jax.random.split(key)
    bound = 1.0 / np.sqrt(fan_in)
    W = jax.random.uniform(k1, (fan_in, fan_out), minval=-bound, maxval=bound, dtype=jnp.float32)
    if bias:
        b = jax.random.uniform(k2, (fan_out,), minval=-bound, maxval=bound, dtype=jnp.float32)
        return W, b
    return W, None


def setup_inputs(seed: int = 0) -> dict:
    key = jax.random.key(seed)
    keys = jax.random.split(key, 12)
    h = jax.random.normal(keys[0], (N, NODE_DIM), dtype=jnp.float32)
    x = jax.random.normal(keys[1], (N, 3), dtype=jnp.float32)
    edge_index = jax.random.randint(keys[2], (2, E), 0, N, dtype=jnp.int64)
    edge_attr = jax.random.normal(keys[3], (E, EDGE_DIM), dtype=jnp.float32)
    We1, be1 = _linear_params(keys[4], NODE_DIM * 2 + EDGE_DIM + 1, HIDDEN)
    We2, be2 = _linear_params(keys[5], HIDDEN, HIDDEN)
    Wc1, bc1 = _linear_params(keys[6], HIDDEN, HIDDEN)
    Wc2, _ = _linear_params(keys[7], HIDDEN, 1, bias=False)
    Wn1, bn1 = _linear_params(keys[8], NODE_DIM + HIDDEN, HIDDEN)
    Wn2, bn2 = _linear_params(keys[9], HIDDEN, NODE_DIM)
    return {"h": h, "x": x, "edge_index": edge_index, "edge_attr": edge_attr,
            "We1": We1, "be1": be1, "We2": We2, "be2": be2,
            "Wc1": Wc1, "bc1": bc1, "Wc2": Wc2,
            "Wn1": Wn1, "bn1": bn1, "Wn2": Wn2, "bn2": bn2}


def reference(h, x, edge_index, edge_attr, We1, be1, We2, be2, Wc1, bc1, Wc2, Wn1, bn1, Wn2, bn2):
    row = edge_index[0]
    col = edge_index[1]
    diff = x[row] - x[col]
    dist_sq = jnp.sum(diff ** 2, axis=1, keepdims=True)
    edge_input = jnp.concatenate([h[row], h[col], dist_sq, edge_attr], axis=1)
    m = jax.nn.silu(edge_input @ We1 + be1)
    m_ij = jax.nn.silu(m @ We2 + be2)
    dist = jnp.sqrt(dist_sq + 1e-08)
    w = jax.nn.silu(m_ij @ Wc1 + bc1) @ Wc2
    w_ij = jnp.tanh(w) * 1.0
    trans = diff / (dist + 1e-08) * w_ij
    agg_trans = jnp.zeros_like(x).at[row].add(trans)
    x_new = x + agg_trans
    agg_msg = jnp.zeros((h.shape[0], m_ij.shape[1]), dtype=h.dtype).at[row].add(m_ij)
    node_input = jnp.concatenate([h, agg_msg], axis=1)
    h_new = h + (jax.nn.silu(node_input @ Wn1 + bn1) @ Wn2 + bn2)
    return (h_new, x_new)

if __name__ == "__main__":
    import jax
    _d = setup_inputs()
    print(jax.jit(kernel)(*tuple(_d.values())))

</pallas_src>

<mosaic_0001>
#map = affine_map<(d0, d1) -> (0, 0)>
#map1 = affine_map<(d0, d1) -> (0)>
module attributes {stable_mosaic.version = 14 : i64} {
  func.func @_sc_gather(%arg0: i32, %arg1: i32, %arg2: memref<10000x128xf32, #tpu.memory_space<hbm>>, %arg3: memref<10000x128xf32, #tpu.memory_space<hbm>>, %arg4: memref<30720xf32, #tpu.memory_space<hbm>>, %arg5: memref<320000xi32, #tpu.memory_space<hbm>>, %arg6: memref<320000xi32, #tpu.memory_space<hbm>>, %arg7: memref<320000x128xf32, #tpu.memory_space<hbm>>, %arg8: memref<320000x128xf32, #tpu.memory_space<hbm>>, %arg9: memref<320000xf32, #tpu.memory_space<hbm>>, %arg10: memref<320000xf32, #tpu.memory_space<hbm>>, %arg11: memref<320000xf32, #tpu.memory_space<hbm>>, %arg12: memref<80xi32, #tpu.memory_space<vmem>>, %arg13: memref<80xi32, #tpu.memory_space<vmem>>, %arg14: memref<80x128xf32, #tpu.memory_space<vmem>>, %arg15: memref<80x128xf32, #tpu.memory_space<vmem>>, %arg16: memref<30720xf32, #tpu.memory_space<vmem>>, %arg17: memref<80xf32, #tpu.memory_space<vmem>>, %arg18: memref<80xf32, #tpu.memory_space<vmem>>, %arg19: memref<80xf32, #tpu.memory_space<vmem>>, %arg20: memref<!tpu.dma_semaphore, #tpu.memory_space<semaphore_mem>>, %arg21: memref<!tpu.dma_semaphore, #tpu.memory_space<semaphore_mem>>) attributes {dimension_semantics = [#tpu.dimension_semantics<core_parallel>, #tpu.dimension_semantics<subcore_parallel>], iteration_bounds = array<i64: 2, 16>, scalar_prefetch = 0 : i64, scratch_operands = 10 : i64, tpu.core_type = #tpu.core_type<sc_vector_subcore>, window_params = [{transform_indices = #map}, {transform_indices = #map}, {transform_indices = #map1}, {transform_indices = #map1}, {transform_indices = #map1}, {transform_indices = #map}, {transform_indices = #map}, {transform_indices = #map1}, {transform_indices = #map1}, {transform_indices = #map1}]} {
    %mul3A = arith.constant 2 : i32
    %mul3A_0 = arith.muli %arg1, %mul3A : i32
    %add3A = arith.addi %mul3A_0, %arg0 : i32
    %mul3A_1 = arith.constant 10000 : i32
    %mul3A_2 = arith.muli %add3A, %mul3A_1 : i32
    "tpu.region"() ({
      %run_scoped3A = tpu.sem_alloc : memref<!tpu.dma_semaphore, #tpu.memory_space<semaphore_mem>>
      tpu.enqueue_dma source(%arg4 : memref<30720xf32, #tpu.memory_space<hbm>>) target(%arg16 : memref<30720xf32, #tpu.memory_space<vmem>>) target_semaphore(%run_scoped3A : memref<!tpu.dma_semaphore, #tpu.memory_space<semaphore_mem>>)
      tpu.wait_dma2 semaphore(%run_scoped3A : memref<!tpu.dma_semaphore, #tpu.memory_space<semaphore_mem>>) src(%arg4 : memref<30720xf32, #tpu.memory_space<hbm>>) dst(%arg16 : memref<30720xf32, #tpu.memory_space<vmem>>)
      tpu.yield
    }) : () -> ()
    %scan3A = arith.constant 0 : i32
    %scan3A_3 = arith.constant 125 : i32
    %scan3A_4 = arith.addi %scan3A, %scan3A_3 : i32
    %scan3A_5 = arith.constant 1 : i32
    scf.for %scan3A_7 = %scan3A to %scan3A_4 step %scan3A_5  : i32 {
      %mul3A_8 = arith.constant 1 : i32
      %mul3A_9 = arith.muli %scan3A_7, %mul3A_8 : i32
      %add3A_10 = arith.constant 0 : i32
      %add3A_11 = arith.addi %add3A_10, %mul3A_9 : i32
      %mul3A_12 = arith.constant 80 : i32
      %mul3A_13 = arith.muli %add3A_11, %mul3A_12 : i32
      %add3A_14 = arith.addi %mul3A_2, %mul3A_13 : i32
      "tpu.region"() ({
        %run_scoped3A = tpu.sem_alloc : memref<!tpu.dma_semaphore, #tpu.memory_space<semaphore_mem>>
        %dma_start3A_30 = tpu.memref_slice %arg5[%add3A_14] : memref<320000xi32, #tpu.memory_space<hbm>> -> memref<80xi32, #tpu.memory_space<hbm>>
        %dma_start3A_31 = tpu.memref_slice %arg5[%add3A_14] : memref<320000xi32, #tpu.memory_space<hbm>> -> memref<80xi32, #tpu.memory_space<hbm>>
        tpu.enqueue_dma source(%dma_start3A_31 : memref<80xi32, #tpu.memory_space<hbm>>) target(%arg12 : memref<80xi32, #tpu.memory_space<vmem>>) target_semaphore(%run_scoped3A : memref<!tpu.dma_semaphore, #tpu.memory_space<semaphore_mem>>)
        %dma_wait3A_32 = tpu.memref_slice %arg5[%add3A_14] : memref<320000xi32, #tpu.memory_space<hbm>> -> memref<80xi32, #tpu.memory_space<hbm>>
        %dma_wait3A_33 = tpu.memref_slice %arg5[%add3A_14] : memref<320000xi32, #tpu.memory_space<hbm>> -> memref<80xi32, #tpu.memory_space<hbm>>
        tpu.wait_dma2 semaphore(%run_scoped3A : memref<!tpu.dma_semaphore, #tpu.memory_space<semaphore_mem>>) src(%dma_wait3A_33 : memref<80xi32, #tpu.memory_space<hbm>>) dst(%arg12 : memref<80xi32, #tpu.memory_space<vmem>>)
        tpu.yield
      }) : () -> ()
      "tpu.region"() ({
        %run_scoped3A = tpu.sem_alloc : memref<!tpu.dma_semaphore, #tpu.memory_space<semaphore_mem>>
        %dma_start3A_30 = tpu.memref_slice %arg6[%add3A_14] : memref<320000xi32, #tpu.memory_space<hbm>> -> memref<80xi32, #tpu.memory_space<hbm>>
        %dma_start3A_31 = tpu.memref_slice %arg6[%add3A_14] : memref<320000xi32, #tpu.memory_space<hbm>> -> memref<80xi32, #tpu.memory_space<hbm>>
        tpu.enqueue_dma source(%dma_start3A_31 : memref<80xi32, #tpu.memory_space<hbm>>) target(%arg13 : memref<80xi32, #tpu.memory_space<vmem>>) target_semaphore(%run_scoped3A : memref<!tpu.dma_semaphore, #tpu.memory_space<semaphore_mem>>)
        %dma_wait3A_32 = tpu.memref_slice %arg6[%add3A_14] : memref<320000xi32, #tpu.memory_space<hbm>> -> memref<80xi32, #tpu.memory_space<hbm>>
        %dma_wait3A_33 = tpu.memref_slice %arg6[%add3A_14] : memref<320000xi32, #tpu.memory_space<hbm>> -> memref<80xi32, #tpu.memory_space<hbm>>
        tpu.wait_dma2 semaphore(%run_scoped3A : memref<!tpu.dma_semaphore, #tpu.memory_space<semaphore_mem>>) src(%dma_wait3A_33 : memref<80xi32, #tpu.memory_space<hbm>>) dst(%arg13 : memref<80xi32, #tpu.memory_space<vmem>>)
        tpu.yield
      }) : () -> ()
      %dma_start3A = arith.constant 0 : i32
      %dma_start3A_15 = arith.constant 0 : i32
      %dma_start3A_16 = tpu.memref_slice %arg2[%dma_start3A, %dma_start3A_15] : memref<10000x128xf32, #tpu.memory_space<hbm>> -> memref<10000x128xf32, #tpu.memory_space<hbm>>
      tpu.enqueue_indirect_dma source(%dma_start3A_16 : memref<10000x128xf32, #tpu.memory_space<hbm>>) target(%arg14 : memref<80x128xf32, #tpu.memory_space<vmem>>) offsets(%arg12 : memref<80xi32, #tpu.memory_space<vmem>>) semaphore(%arg20 : memref<!tpu.dma_semaphore, #tpu.memory_space<semaphore_mem>>)
      %dma_start3A_17 = arith.constant 0 : i32
      %dma_start3A_18 = arith.constant 0 : i32
      %dma_start3A_19 = tpu.memref_slice %arg3[%dma_start3A_17, %dma_start3A_18] : memref<10000x128xf32, #tpu.memory_space<hbm>> -> memref<10000x128xf32, #tpu.memory_space<hbm>>
      tpu.enqueue_indirect_dma source(%dma_start3A_19 : memref<10000x128xf32, #tpu.memory_space<hbm>>) target(%arg15 : memref<80x128xf32, #tpu.memory_space<vmem>>) offsets(%arg13 : memref<80xi32, #tpu.memory_space<vmem>>) semaphore(%arg21 : memref<!tpu.dma_semaphore, #tpu.memory_space<semaphore_mem>>)
      %scan3A_20 = arith.constant 0 : i32
      %scan3A_21 = arith.constant 5 : i32
      %scan3A_22 = arith.addi %scan3A_20, %scan3A_21 : i32
      %scan3A_23 = arith.constant 1 : i32
      scf.for %scan3A_30 = %scan3A_20 to %scan3A_22 step %scan3A_23  : i32 {
        %mul3A_31 = arith.constant 1 : i32
        %mul3A_32 = arith.muli %scan3A_30, %mul3A_31 : i32
        %add3A_33 = arith.constant 0 : i32
        %add3A_34 = arith.addi %add3A_33, %mul3A_32 : i32
        %mul3A_35 = arith.constant 16 : i32
        %mul3A_36 = arith.muli %add3A_34, %mul3A_35 : i32
        %get3A = arith.index_cast %mul3A_36 : i32 to index
        %get3A_37 = tpu.vector_load %arg12[%get3A] {strides = array<i32>} : memref<80xi32, #tpu.memory_space<vmem>>, vector<16xi32>,
        %get3A_38 = arith.index_cast %mul3A_36 : i32 to index
        %get3A_39 = tpu.vector_load %arg13[%get3A_38] {strides = array<i32>} : memref<80xi32, #tpu.memory_space<vmem>>, vector<16xi32>,
        %gather3A = tpu.vector_load_idx %arg16[%get3A_37] : memref<30720xf32, #tpu.memory_space<vmem>>[vector<16xi32>], vector<16xf32>,
        %gather3A_40 = tpu.vector_load_idx %arg16[%get3A_39] : memref<30720xf32, #tpu.memory_space<vmem>>[vector<16xi32>], vector<16xf32>,
        %sub3A = arith.subf %gather3A, %gather3A_40 : vector<16xf32>
        %swap3A = arith.index_cast %mul3A_36 : i32 to index
        %swap3A_41 = tpu.vector_load %arg17[%swap3A] {strides = array<i32>} : memref<80xf32, #tpu.memory_space<vmem>>, vector<16xf32>,
        tpu.vector_store %arg17[%swap3A], %sub3A {strides = array<i32>} : memref<80xf32, #tpu.memory_space<vmem>>, vector<16xf32>,
        %add3A_42 = arith.constant 10240 : i32
        %add3A_43 = vector.broadcast %add3A_42 : i32 to vector<16xi32>
        %add3A_44 = arith.addi %get3A_37, %add3A_43 : vector<16xi32>
        %add3A_45 = arith.constant 10240 : i32
        %add3A_46 = vector.broadcast %add3A_45 : i32 to vector<16xi32>
        %add3A_47 = arith.addi %get3A_39, %add3A_46 : vector<16xi32>
        %gather3A_48 = tpu.vector_load_idx %arg16[%add3A_44] : memref<30720xf32, #tpu.memory_space<vmem>>[vector<16xi32>], vector<16xf32>,
        %gather3A_49 = tpu.vector_load_idx %arg16[%add3A_47] : memref<30720xf32, #tpu.memory_space<vmem>>[vector<16xi32>], vector<16xf32>,
        %sub3A_50 = arith.subf %gather3A_48, %gather3A_49 : vector<16xf32>
        %swap3A_51 = arith.index_cast %mul3A_36 : i32 to index
        %swap3A_52 = tpu.vector_load %arg18[%swap3A_51] {strides = array<i32>} : memref<80xf32, #tpu.memory_space<vmem>>, vector<16xf32>,
        tpu.vector_store %arg18[%swap3A_51], %sub3A_50 {strides = array<i32>} : memref<80xf32, #tpu.memory_space<vmem>>, vector<16xf32>,
        %add3A_53 = arith.constant 10240 : i32
        %add3A_54 = vector.broadcast %add3A_53 : i32 to vector<16xi32>
        %add3A_55 = arith.addi %add3A_44, %add3A_54 : vector<16xi32>
        %add3A_56 = arith.constant 10240 : i32
        %add3A_57 = vector.broadcast %add3A_56 : i32 to vector<16xi32>
        %add3A_58 = arith.addi %add3A_47, %add3A_57 : vector<16xi32>
        %gather3A_59 = tpu.vector_load_idx %arg16[%add3A_55] : memref<30720xf32, #tpu.memory_space<vmem>>[vector<16xi32>], vector<16xf32>,
        %gather3A_60 = tpu.vector_load_idx %arg16[%add3A_58] : memref<30720xf32, #tpu.memory_space<vmem>>[vector<16xi32>], vector<16xf32>,
        %sub3A_61 = arith.subf %gather3A_59, %gather3A_60 : vector<16xf32>
        %swap3A_62 = arith.index_cast %mul3A_36 : i32 to index
        %swap3A_63 = tpu.vector_load %arg19[%swap3A_62] {strides = array<i32>} : memref<80xf32, #tpu.memory_space<vmem>>, vector<16xf32>,
        tpu.vector_store %arg19[%swap3A_62], %sub3A_61 {strides = array<i32>} : memref<80xf32, #tpu.memory_space<vmem>>, vector<16xf32>,
      }
      %scan3A_24 = arith.constant 5 : i32
      %dma_wait3A = arith.constant 0 : i32
      %dma_wait3A_25 = arith.constant 0 : i32
      %dma_wait3A_26 = tpu.memref_slice %arg2[%dma_wait3A, %dma_wait3A_25] : memref<10000x128xf32, #tpu.memory_space<hbm>> -> memref<10000x128xf32, #tpu.memory_space<hbm>>
      tpu.wait_indirect_dma semaphore(%arg20 : memref<!tpu.dma_semaphore, #tpu.memory_space<semaphore_mem>>) src(%dma_wait3A_26 : memref<10000x128xf32, #tpu.memory_space<hbm>>) dst(%arg14 : memref<80x128xf32, #tpu.memory_space<vmem>>)
      %dma_wait3A_27 = arith.constant 0 : i32
      %dma_wait3A_28 = arith.constant 0 : i32
      %dma_wait3A_29 = tpu.memref_slice %arg3[%dma_wait3A_27, %dma_wait3A_28] : memref<10000x128xf32, #tpu.memory_space<hbm>> -> memref<10000x128xf32, #tpu.memory_space<hbm>>
      tpu.wait_indirect_dma semaphore(%arg21 : memref<!tpu.dma_semaphore, #tpu.memory_space<semaphore_mem>>) src(%dma_wait3A_29 : memref<10000x128xf32, #tpu.memory_space<hbm>>) dst(%arg15 : memref<80x128xf32, #tpu.memory_space<vmem>>)
      "tpu.region"() ({
        %run_scoped3A = tpu.sem_alloc : memref<!tpu.dma_semaphore, #tpu.memory_space<semaphore_mem>>
        %dma_start3A_30 = arith.constant 0 : i32
        %dma_start3A_31 = tpu.memref_slice %arg7[%add3A_14, %dma_start3A_30] : memref<320000x128xf32, #tpu.memory_space<hbm>> -> memref<80x128xf32, #tpu.memory_space<hbm>>
        %dma_start3A_32 = arith.constant 0 : i32
        %dma_start3A_33 = tpu.memref_slice %arg7[%add3A_14, %dma_start3A_32] : memref<320000x128xf32, #tpu.memory_space<hbm>> -> memref<80x128xf32, #tpu.memory_space<hbm>>
        tpu.enqueue_dma source(%arg14 : memref<80x128xf32, #tpu.memory_space<vmem>>) target(%dma_start3A_33 : memref<80x128xf32, #tpu.memory_space<hbm>>) target_semaphore(%run_scoped3A : memref<!tpu.dma_semaphore, #tpu.memory_space<semaphore_mem>>)
        %dma_wait3A_34 = arith.constant 0 : i32
        %dma_wait3A_35 = tpu.memref_slice %arg7[%add3A_14, %dma_wait3A_34] : memref<320000x128xf32, #tpu.memory_space<hbm>> -> memref<80x128xf32, #tpu.memory_space<hbm>>
        %dma_wait3A_36 = arith.constant 0 : i32
        %dma_wait3A_37 = tpu.memref_slice %arg7[%add3A_14, %dma_wait3A_36] : memref<320000x128xf32, #tpu.memory_space<hbm>> -> memref<80x128xf32, #tpu.memory_space<hbm>>
        tpu.wait_dma2 semaphore(%run_scoped3A : memref<!tpu.dma_semaphore, #tpu.memory_space<semaphore_mem>>) src(%arg14 : memref<80x128xf32, #tpu.memory_space<vmem>>) dst(%dma_wait3A_37 : memref<80x128xf32, #tpu.memory_space<hbm>>)
        tpu.yield
      }) : () -> ()
      "tpu.region"() ({
        %run_scoped3A = tpu.sem_alloc : memref<!tpu.dma_semaphore, #tpu.memory_space<semaphore_mem>>
        %dma_start3A_30 = arith.constant 0 : i32
        %dma_start3A_31 = tpu.memref_slice %arg8[%add3A_14, %dma_start3A_30] : memref<320000x128xf32, #tpu.memory_space<hbm>> -> memref<80x128xf32, #tpu.memory_space<hbm>>
        %dma_start3A_32 = arith.constant 0 : i32
        %dma_start3A_33 = tpu.memref_slice %arg8[%add3A_14, %dma_start3A_32] : memref<320000x128xf32, #tpu.memory_space<hbm>> -> memref<80x128xf32, #tpu.memory_space<hbm>>
        tpu.enqueue_dma source(%arg15 : memref<80x128xf32, #tpu.memory_space<vmem>>) target(%dma_start3A_33 : memref<80x128xf32, #tpu.memory_space<hbm>>) target_semaphore(%run_scoped3A : memref<!tpu.dma_semaphore, #tpu.memory_space<semaphore_mem>>)
        %dma_wait3A_34 = arith.constant 0 : i32
        %dma_wait3A_35 = tpu.memref_slice %arg8[%add3A_14, %dma_wait3A_34] : memref<320000x128xf32, #tpu.memory_space<hbm>> -> memref<80x128xf32, #tpu.memory_space<hbm>>
        %dma_wait3A_36 = arith.constant 0 : i32
        %dma_wait3A_37 = tpu.memref_slice %arg8[%add3A_14, %dma_wait3A_36] : memref<320000x128xf32, #tpu.memory_space<hbm>> -> memref<80x128xf32, #tpu.memory_space<hbm>>
        tpu.wait_dma2 semaphore(%run_scoped3A : memref<!tpu.dma_semaphore, #tpu.memory_space<semaphore_mem>>) src(%arg15 : memref<80x128xf32, #tpu.memory_space<vmem>>) dst(%dma_wait3A_37 : memref<80x128xf32, #tpu.memory_space<hbm>>)
        tpu.yield
      }) : () -> ()
      "tpu.region"() ({
        %run_scoped3A = tpu.sem_alloc : memref<!tpu.dma_semaphore, #tpu.memory_space<semaphore_mem>>
        %dma_start3A_30 = tpu.memref_slice %arg9[%add3A_14] : memref<320000xf32, #tpu.memory_space<hbm>> -> memref<80xf32, #tpu.memory_space<hbm>>
        %dma_start3A_31 = tpu.memref_slice %arg9[%add3A_14] : memref<320000xf32, #tpu.memory_space<hbm>> -> memref<80xf32, #tpu.memory_space<hbm>>
        tpu.enqueue_dma source(%arg17 : memref<80xf32, #tpu.memory_space<vmem>>) target(%dma_start3A_31 : memref<80xf32, #tpu.memory_space<hbm>>) target_semaphore(%run_scoped3A : memref<!tpu.dma_semaphore, #tpu.memory_space<semaphore_mem>>)
        %dma_wait3A_32 = tpu.memref_slice %arg9[%add3A_14] : memref<320000xf32, #tpu.memory_space<hbm>> -> memref<80xf32, #tpu.memory_space<hbm>>
        %dma_wait3A_33 = tpu.memref_slice %arg9[%add3A_14] : memref<320000xf32, #tpu.memory_space<hbm>> -> memref<80xf32, #tpu.memory_space<hbm>>
        tpu.wait_dma2 semaphore(%run_scoped3A : memref<!tpu.dma_semaphore, #tpu.memory_space<semaphore_mem>>) src(%arg17 : memref<80xf32, #tpu.memory_space<vmem>>) dst(%dma_wait3A_33 : memref<80xf32, #tpu.memory_space<hbm>>)
        tpu.yield
      }) : () -> ()
      "tpu.region"() ({
        %run_scoped3A = tpu.sem_alloc : memref<!tpu.dma_semaphore, #tpu.memory_space<semaphore_mem>>
        %dma_start3A_30 = tpu.memref_slice %arg10[%add3A_14] : memref<320000xf32, #tpu.memory_space<hbm>> -> memref<80xf32, #tpu.memory_space<hbm>>
        %dma_start3A_31 = tpu.memref_slice %arg10[%add3A_14] : memref<320000xf32, #tpu.memory_space<hbm>> -> memref<80xf32, #tpu.memory_space<hbm>>
        tpu.enqueue_dma source(%arg18 : memref<80xf32, #tpu.memory_space<vmem>>) target(%dma_start3A_31 : memref<80xf32, #tpu.memory_space<hbm>>) target_semaphore(%run_scoped3A : memref<!tpu.dma_semaphore, #tpu.memory_space<semaphore_mem>>)
        %dma_wait3A_32 = tpu.memref_slice %arg10[%add3A_14] : memref<320000xf32, #tpu.memory_space<hbm>> -> memref<80xf32, #tpu.memory_space<hbm>>
        %dma_wait3A_33 = tpu.memref_slice %arg10[%add3A_14] : memref<320000xf32, #tpu.memory_space<hbm>> -> memref<80xf32, #tpu.memory_space<hbm>>
        tpu.wait_dma2 semaphore(%run_scoped3A : memref<!tpu.dma_semaphore, #tpu.memory_space<semaphore_mem>>) src(%arg18 : memref<80xf32, #tpu.memory_space<vmem>>) dst(%dma_wait3A_33 : memref<80xf32, #tpu.memory_space<hbm>>)
        tpu.yield
      }) : () -> ()
      "tpu.region"() ({
        %run_scoped3A = tpu.sem_alloc : memref<!tpu.dma_semaphore, #tpu.memory_space<semaphore_mem>>
        %dma_start3A_30 = tpu.memref_slice %arg11[%add3A_14] : memref<320000xf32, #tpu.memory_space<hbm>> -> memref<80xf32, #tpu.memory_space<hbm>>
        %dma_start3A_31 = tpu.memref_slice %arg11[%add3A_14] : memref<320000xf32, #tpu.memory_space<hbm>> -> memref<80xf32, #tpu.memory_space<hbm>>
        tpu.enqueue_dma source(%arg19 : memref<80xf32, #tpu.memory_space<vmem>>) target(%dma_start3A_31 : memref<80xf32, #tpu.memory_space<hbm>>) target_semaphore(%run_scoped3A : memref<!tpu.dma_semaphore, #tpu.memory_space<semaphore_mem>>)
        %dma_wait3A_32 = tpu.memref_slice %arg11[%add3A_14] : memref<320000xf32, #tpu.memory_space<hbm>> -> memref<80xf32, #tpu.memory_space<hbm>>
        %dma_wait3A_33 = tpu.memref_slice %arg11[%add3A_14] : memref<320000xf32, #tpu.memory_space<hbm>> -> memref<80xf32, #tpu.memory_space<hbm>>
        tpu.wait_dma2 semaphore(%run_scoped3A : memref<!tpu.dma_semaphore, #tpu.memory_space<semaphore_mem>>) src(%arg19 : memref<80xf32, #tpu.memory_space<vmem>>) dst(%dma_wait3A_33 : memref<80xf32, #tpu.memory_space<hbm>>)
        tpu.yield
      }) : () -> ()
    }
    %scan3A_6 = arith.constant 125 : i32
    return
  }
}

#map = affine_map<(d0, d1) -> (0, 0)>
#map1 = affine_map<(d0, d1) -> (0)>
#map2 = affine_map<(d0, d1) -> (0, 0, 0)>
module attributes {stable_mosaic.version = 14 : i64} {
  func.func @_sc_scatter(%arg0: i32, %arg1: i32, %arg2: memref<320000x128xf32, #tpu.memory_space<hbm>>, %arg3: memref<320000x128xf32, #tpu.memory_space<hbm>>, %arg4: memref<320000xi32, #tpu.memory_space<hbm>>, %arg5: memref<10112x128xf32, #tpu.memory_space<hbm>>, %arg6: memref<2x10112x128xf32, #tpu.memory_space<hbm>>, %arg7: memref<2x10112x128xf32, #tpu.memory_space<hbm>>, %arg8: memref<80xi32, #tpu.memory_space<vmem>>, %arg9: memref<80x128xf32, #tpu.memory_space<vmem>>, %arg10: memref<10112x128xf32, #tpu.memory_space<vmem_shared>>) attributes {dimension_semantics = [#tpu.dimension_semantics<core_parallel>, #tpu.dimension_semantics<subcore_parallel>], iteration_bounds = array<i64: 2, 16>, scalar_prefetch = 0 : i64, scratch_operands = 3 : i64, tpu.core_type = #tpu.core_type<sc_vector_subcore>, window_params = [{transform_indices = #map}, {transform_indices = #map}, {transform_indices = #map1}, {transform_indices = #map}, {transform_indices = #map2}, {transform_indices = #map2}]} {
    %mul3A = arith.constant 632 : i32
    %mul3A_0 = arith.muli %arg1, %mul3A : i32
    %mul3A_1 = arith.constant 2 : i32
    %mul3A_2 = arith.muli %arg1, %mul3A_1 : i32
    %add3A = arith.addi %mul3A_2, %arg0 : i32
    %mul3A_3 = arith.constant 10000 : i32
    %mul3A_4 = arith.muli %add3A, %mul3A_3 : i32
    "tpu.region"() ({
      %run_scoped3A = tpu.sem_alloc : memref<!tpu.dma_semaphore, #tpu.memory_space<semaphore_mem>>
      %dma_start3A = arith.constant 0 : i32
      %dma_start3A_17 = tpu.memref_slice %arg10[%mul3A_0, %dma_start3A] : memref<10112x128xf32, #tpu.memory_space<vmem_shared>> -> memref<632x128xf32, #tpu.memory_space<vmem_shared>>
      %dma_start3A_18 = arith.constant 0 : i32
      %dma_start3A_19 = tpu.memref_slice %arg5[%mul3A_0, %dma_start3A_18] : memref<10112x128xf32, #tpu.memory_space<hbm>> -> memref<632x128xf32, #tpu.memory_space<hbm>>
      tpu.enqueue_dma source(%dma_start3A_19 : memref<632x128xf32, #tpu.memory_space<hbm>>) target(%dma_start3A_17 : memref<632x128xf32, #tpu.memory_space<vmem_shared>>) target_semaphore(%run_scoped3A : memref<!tpu.dma_semaphore, #tpu.memory_space<semaphore_mem>>)
      %dma_wait3A = arith.constant 0 : i32
      %dma_wait3A_20 = tpu.memref_slice %arg10[%mul3A_0, %dma_wait3A] : memref<10112x128xf32, #tpu.memory_space<vmem_shared>> -> memref<632x128xf32, #tpu.memory_space<vmem_shared>>
      %dma_wait3A_21 = arith.constant 0 : i32
      %dma_wait3A_22 = tpu.memref_slice %arg5[%mul3A_0, %dma_wait3A_21] : memref<10112x128xf32, #tpu.memory_space<hbm>> -> memref<632x128xf32, #tpu.memory_space<hbm>>
      tpu.wait_dma2 semaphore(%run_scoped3A : memref<!tpu.dma_semaphore, #tpu.memory_space<semaphore_mem>>) src(%dma_wait3A_22 : memref<632x128xf32, #tpu.memory_space<hbm>>) dst(%dma_wait3A_20 : memref<632x128xf32, #tpu.memory_space<vmem_shared>>)
      tpu.yield
    }) : () -> ()
    %barrier3A = arith.constant 0 : index
    tpu.barrier barrier_id(%barrier3A)
    %scan3A = arith.constant 0 : i32
    %scan3A_5 = arith.constant 125 : i32
    %scan3A_6 = arith.addi %scan3A, %scan3A_5 : i32
    %scan3A_7 = arith.constant 1 : i32
    scf.for %scan3A_17 = %scan3A to %scan3A_6 step %scan3A_7  : i32 {
      %mul3A_18 = arith.constant 1 : i32
      %mul3A_19 = arith.muli %scan3A_17, %mul3A_18 : i32
      %add3A_20 = arith.constant 0 : i32
      %add3A_21 = arith.addi %add3A_20, %mul3A_19 : i32
      %mul3A_22 = arith.constant 80 : i32
      %mul3A_23 = arith.muli %add3A_21, %mul3A_22 : i32
      %add3A_24 = arith.addi %mul3A_4, %mul3A_23 : i32
      "tpu.region"() ({
        %run_scoped3A = tpu.sem_alloc : memref<!tpu.dma_semaphore, #tpu.memory_space<semaphore_mem>>
        %dma_start3A = tpu.memref_slice %arg4[%add3A_24] : memref<320000xi32, #tpu.memory_space<hbm>> -> memref<80xi32, #tpu.memory_space<hbm>>
        %dma_start3A_25 = tpu.memref_slice %arg4[%add3A_24] : memref<320000xi32, #tpu.memory_space<hbm>> -> memref<80xi32, #tpu.memory_space<hbm>>
        tpu.enqueue_dma source(%dma_start3A_25 : memref<80xi32, #tpu.memory_space<hbm>>) target(%arg8 : memref<80xi32, #tpu.memory_space<vmem>>) target_semaphore(%run_scoped3A : memref<!tpu.dma_semaphore, #tpu.memory_space<semaphore_mem>>)
        %dma_wait3A = tpu.memref_slice %arg4[%add3A_24] : memref<320000xi32, #tpu.memory_space<hbm>> -> memref<80xi32, #tpu.memory_space<hbm>>
        %dma_wait3A_26 = tpu.memref_slice %arg4[%add3A_24] : memref<320000xi32, #tpu.memory_space<hbm>> -> memref<80xi32, #tpu.memory_space<hbm>>
        tpu.wait_dma2 semaphore(%run_scoped3A : memref<!tpu.dma_semaphore, #tpu.memory_space<semaphore_mem>>) src(%dma_wait3A_26 : memref<80xi32, #tpu.memory_space<hbm>>) dst(%arg8 : memref<80xi32, #tpu.memory_space<vmem>>)
        tpu.yield
      }) : () -> ()
      "tpu.region"() ({
        %run_scoped3A = tpu.sem_alloc : memref<!tpu.dma_semaphore, #tpu.memory_space<semaphore_mem>>
        %dma_start3A = arith.constant 0 : i32
        %dma_start3A_25 = tpu.memref_slice %arg2[%add3A_24, %dma_start3A] : memref<320000x128xf32, #tpu.memory_space<hbm>> -> memref<80x128xf32, #tpu.memory_space<hbm>>
        %dma_start3A_26 = arith.constant 0 : i32
        %dma_start3A_27 = tpu.memref_slice %arg2[%add3A_24, %dma_start3A_26] : memref<320000x128xf32, #tpu.memory_space<hbm>> -> memref<80x128xf32, #tpu.memory_space<hbm>>
        tpu.enqueue_dma source(%dma_start3A_27 : memref<80x128xf32, #tpu.memory_space<hbm>>) target(%arg9 : memref<80x128xf32, #tpu.memory_space<vmem>>) target_semaphore(%run_scoped3A : memref<!tpu.dma_semaphore, #tpu.memory_space<semaphore_mem>>)
        %dma_wait3A = arith.constant 0 : i32
        %dma_wait3A_28 = tpu.memref_slice %arg2[%add3A_24, %dma_wait3A] : memref<320000x128xf32, #tpu.memory_space<hbm>> -> memref<80x128xf32, #tpu.memory_space<hbm>>
        %dma_wait3A_29 = arith.constant 0 : i32
        %dma_wait3A_30 = tpu.memref_slice %arg2[%add3A_24, %dma_wait3A_29] : memref<320000x128xf32, #tpu.memory_space<hbm>> -> memref<80x128xf32, #tpu.memory_space<hbm>>
        tpu.wait_dma2 semaphore(%run_scoped3A : memref<!tpu.dma_semaphore, #tpu.memory_space<semaphore_mem>>) src(%dma_wait3A_30 : memref<80x128xf32, #tpu.memory_space<hbm>>) dst(%arg9 : memref<80x128xf32, #tpu.memory_space<vmem>>)
        tpu.yield
      }) : () -> ()
      "tpu.region"() ({
        %run_scoped3A = tpu.sem_alloc : memref<!tpu.dma_semaphore, #tpu.memory_space<semaphore_mem>>
        %dma_start3A = arith.constant 0 : i32
        %dma_start3A_25 = arith.constant 0 : i32
        %dma_start3A_26 = tpu.memref_slice %arg10[%dma_start3A, %dma_start3A_25] : memref<10112x128xf32, #tpu.memory_space<vmem_shared>> -> memref<10112x128xf32, #tpu.memory_space<vmem_shared>>
        tpu.enqueue_indirect_dma source(%arg9 : memref<80x128xf32, #tpu.memory_space<vmem>>) target(%dma_start3A_26 : memref<10112x128xf32, #tpu.memory_space<vmem_shared>>) offsets(%arg8 : memref<80xi32, #tpu.memory_space<vmem>>) semaphore(%run_scoped3A : memref<!tpu.dma_semaphore, #tpu.memory_space<semaphore_mem>>) {add = true}
        %dma_wait3A = arith.constant 0 : i32
        %dma_wait3A_27 = arith.constant 0 : i32
        %dma_wait3A_28 = tpu.memref_slice %arg10[%dma_wait3A, %dma_wait3A_27] : memref<10112x128xf32, #tpu.memory_space<vmem_shared>> -> memref<10112x128xf32, #tpu.memory_space<vmem_shared>>
        tpu.wait_indirect_dma semaphore(%run_scoped3A : memref<!tpu.dma_semaphore, #tpu.memory_space<semaphore_mem>>) src(%arg9 : memref<80x128xf32, #tpu.memory_space<vmem>>) dst(%dma_wait3A_28 : memref<10112x128xf32, #tpu.memory_space<vmem_shared>>)
        tpu.yield
      }) : () -> ()
    }
    %scan3A_8 = arith.constant 125 : i32
    %barrier3A_9 = arith.constant 0 : index
    tpu.barrier barrier_id(%barrier3A_9)
    "tpu.region"() ({
      %run_scoped3A = tpu.sem_alloc : memref<!tpu.dma_semaphore, #tpu.memory_space<semaphore_mem>>
      %dma_start3A = arith.constant 0 : i32
      %dma_start3A_17 = tpu.memref_slice %arg6[%arg0, %mul3A_0, %dma_start3A] : memref<2x10112x128xf32, #tpu.memory_space<hbm>> -> memref<1x632x128xf32, #tpu.memory_space<hbm>>
      %dma_start3A_18 = tpu.memref_squeeze %dma_start3A_17 : memref<1x632x128xf32, #tpu.memory_space<hbm>> -> memref<632x128xf32, #tpu.memory_space<hbm>>
      %dma_start3A_19 = arith.constant 0 : i32
      %dma_start3A_20 = tpu.memref_slice %arg10[%mul3A_0, %dma_start3A_19] : memref<10112x128xf32, #tpu.memory_space<vmem_shared>> -> memref<632x128xf32, #tpu.memory_space<vmem_shared>>
      tpu.enqueue_dma source(%dma_start3A_20 : memref<632x128xf32, #tpu.memory_space<vmem_shared>>) target(%dma_start3A_18 : memref<632x128xf32, #tpu.memory_space<hbm>>) target_semaphore(%run_scoped3A : memref<!tpu.dma_semaphore, #tpu.memory_space<semaphore_mem>>)
      %dma_wait3A = arith.constant 0 : i32
      %dma_wait3A_21 = tpu.memref_slice %arg6[%arg0, %mul3A_0, %dma_wait3A] : memref<2x10112x128xf32, #tpu.memory_space<hbm>> -> memref<1x632x128xf32, #tpu.memory_space<hbm>>
      %dma_wait3A_22 = tpu.memref_squeeze %dma_wait3A_21 : memref<1x632x128xf32, #tpu.memory_space<hbm>> -> memref<632x128xf32, #tpu.memory_space<hbm>>
      %dma_wait3A_23 = arith.constant 0 : i32
      %dma_wait3A_24 = tpu.memref_slice %arg10[%mul3A_0, %dma_wait3A_23] : memref<10112x128xf32, #tpu.memory_space<vmem_shared>> -> memref<632x128xf32, #tpu.memory_space<vmem_shared>>
      tpu.wait_dma2 semaphore(%run_scoped3A : memref<!tpu.dma_semaphore, #tpu.memory_space<semaphore_mem>>) src(%dma_wait3A_24 : memref<632x128xf32, #tpu.memory_space<vmem_shared>>) dst(%dma_wait3A_22 : memref<632x128xf32, #tpu.memory_space<hbm>>)
      tpu.yield
    }) : () -> ()
    "tpu.region"() ({
      %run_scoped3A = tpu.sem_alloc : memref<!tpu.dma_semaphore, #tpu.memory_space<semaphore_mem>>
      %dma_start3A = arith.constant 0 : i32
      %dma_start3A_17 = tpu.memref_slice %arg10[%mul3A_0, %dma_start3A] : memref<10112x128xf32, #tpu.memory_space<vmem_shared>> -> memref<632x128xf32, #tpu.memory_space<vmem_shared>>
      %dma_start3A_18 = arith.constant 0 : i32
      %dma_start3A_19 = tpu.memref_slice %arg5[%mul3A_0, %dma_start3A_18] : memref<10112x128xf32, #tpu.memory_space<hbm>> -> memref<632x128xf32, #tpu.memory_space<hbm>>
      tpu.enqueue_dma source(%dma_start3A_19 : memref<632x128xf32, #tpu.memory_space<hbm>>) target(%dma_start3A_17 : memref<632x128xf32, #tpu.memory_space<vmem_shared>>) target_semaphore(%run_scoped3A : memref<!tpu.dma_semaphore, #tpu.memory_space<semaphore_mem>>)
      %dma_wait3A = arith.constant 0 : i32
      %dma_wait3A_20 = tpu.memref_slice %arg10[%mul3A_0, %dma_wait3A] : memref<10112x128xf32, #tpu.memory_space<vmem_shared>> -> memref<632x128xf32, #tpu.memory_space<vmem_shared>>
      %dma_wait3A_21 = arith.constant 0 : i32
      %dma_wait3A_22 = tpu.memref_slice %arg5[%mul3A_0, %dma_wait3A_21] : memref<10112x128xf32, #tpu.memory_space<hbm>> -> memref<632x128xf32, #tpu.memory_space<hbm>>
      tpu.wait_dma2 semaphore(%run_scoped3A : memref<!tpu.dma_semaphore, #tpu.memory_space<semaphore_mem>>) src(%dma_wait3A_22 : memref<632x128xf32, #tpu.memory_space<hbm>>) dst(%dma_wait3A_20 : memref<632x128xf32, #tpu.memory_space<vmem_shared>>)
      tpu.yield
    }) : () -> ()
    %barrier3A_10 = arith.constant 0 : index
    tpu.barrier barrier_id(%barrier3A_10)
    %scan3A_11 = arith.constant 0 : i32
    %scan3A_12 = arith.constant 125 : i32
    %scan3A_13 = arith.addi %scan3A_11, %scan3A_12 : i32
    %scan3A_14 = arith.constant 1 : i32
    scf.for %scan3A_17 = %scan3A_11 to %scan3A_13 step %scan3A_14  : i32 {
      %mul3A_18 = arith.constant 1 : i32
      %mul3A_19 = arith.muli %scan3A_17, %mul3A_18 : i32
      %add3A_20 = arith.constant 0 : i32
      %add3A_21 = arith.addi %add3A_20, %mul3A_19 : i32
      %mul3A_22 = arith.constant 80 : i32
      %mul3A_23 = arith.muli %add3A_21, %mul3A_22 : i32
      %add3A_24 = arith.addi %mul3A_4, %mul3A_23 : i32
      "tpu.region"() ({
        %run_scoped3A = tpu.sem_alloc : memref<!tpu.dma_semaphore, #tpu.memory_space<semaphore_mem>>
        %dma_start3A = tpu.memref_slice %arg4[%add3A_24] : memref<320000xi32, #tpu.memory_space<hbm>> -> memref<80xi32, #tpu.memory_space<hbm>>
        %dma_start3A_25 = tpu.memref_slice %arg4[%add3A_24] : memref<320000xi32, #tpu.memory_space<hbm>> -> memref<80xi32, #tpu.memory_space<hbm>>
        tpu.enqueue_dma source(%dma_start3A_25 : memref<80xi32, #tpu.memory_space<hbm>>) target(%arg8 : memref<80xi32, #tpu.memory_space<vmem>>) target_semaphore(%run_scoped3A : memref<!tpu.dma_semaphore, #tpu.memory_space<semaphore_mem>>)
        %dma_wait3A = tpu.memref_slice %arg4[%add3A_24] : memref<320000xi32, #tpu.memory_space<hbm>> -> memref<80xi32, #tpu.memory_space<hbm>>
        %dma_wait3A_26 = tpu.memref_slice %arg4[%add3A_24] : memref<320000xi32, #tpu.memory_space<hbm>> -> memref<80xi32, #tpu.memory_space<hbm>>
        tpu.wait_dma2 semaphore(%run_scoped3A : memref<!tpu.dma_semaphore, #tpu.memory_space<semaphore_mem>>) src(%dma_wait3A_26 : memref<80xi32, #tpu.memory_space<hbm>>) dst(%arg8 : memref<80xi32, #tpu.memory_space<vmem>>)
        tpu.yield
      }) : () -> ()
      "tpu.region"() ({
        %run_scoped3A = tpu.sem_alloc : memref<!tpu.dma_semaphore, #tpu.memory_space<semaphore_mem>>
        %dma_start3A = arith.constant 0 : i32
        %dma_start3A_25 = tpu.memref_slice %arg3[%add3A_24, %dma_start3A] : memref<320000x128xf32, #tpu.memory_space<hbm>> -> memref<80x128xf32, #tpu.memory_space<hbm>>
        %dma_start3A_26 = arith.constant 0 : i32
        %dma_start3A_27 = tpu.memref_slice %arg3[%add3A_24, %dma_start3A_26] : memref<320000x128xf32, #tpu.memory_space<hbm>> -> memref<80x128xf32, #tpu.memory_space<hbm>>
        tpu.enqueue_dma source(%dma_start3A_27 : memref<80x128xf32, #tpu.memory_space<hbm>>) target(%arg9 : memref<80x128xf32, #tpu.memory_space<vmem>>) target_semaphore(%run_scoped3A : memref<!tpu.dma_semaphore, #tpu.memory_space<semaphore_mem>>)
        %dma_wait3A = arith.constant 0 : i32
        %dma_wait3A_28 = tpu.memref_slice %arg3[%add3A_24, %dma_wait3A] : memref<320000x128xf32, #tpu.memory_space<hbm>> -> memref<80x128xf32, #tpu.memory_space<hbm>>
        %dma_wait3A_29 = arith.constant 0 : i32
        %dma_wait3A_30 = tpu.memref_slice %arg3[%add3A_24, %dma_wait3A_29] : memref<320000x128xf32, #tpu.memory_space<hbm>> -> memref<80x128xf32, #tpu.memory_space<hbm>>
        tpu.wait_dma2 semaphore(%run_scoped3A : memref<!tpu.dma_semaphore, #tpu.memory_space<semaphore_mem>>) src(%dma_wait3A_30 : memref<80x128xf32, #tpu.memory_space<hbm>>) dst(%arg9 : memref<80x128xf32, #tpu.memory_space<vmem>>)
        tpu.yield
      }) : () -> ()
      "tpu.region"() ({
        %run_scoped3A = tpu.sem_alloc : memref<!tpu.dma_semaphore, #tpu.memory_space<semaphore_mem>>
        %dma_start3A = arith.constant 0 : i32
        %dma_start3A_25 = arith.constant 0 : i32
        %dma_start3A_26 = tpu.memref_slice %arg10[%dma_start3A, %dma_start3A_25] : memref<10112x128xf32, #tpu.memory_space<vmem_shared>> -> memref<10112x128xf32, #tpu.memory_space<vmem_shared>>
        tpu.enqueue_indirect_dma source(%arg9 : memref<80x128xf32, #tpu.memory_space<vmem>>) target(%dma_start3A_26 : memref<10112x128xf32, #tpu.memory_space<vmem_shared>>) offsets(%arg8 : memref<80xi32, #tpu.memory_space<vmem>>) semaphore(%run_scoped3A : memref<!tpu.dma_semaphore, #tpu.memory_space<semaphore_mem>>) {add = true}
        %dma_wait3A = arith.constant 0 : i32
        %dma_wait3A_27 = arith.constant 0 : i32
        %dma_wait3A_28 = tpu.memref_slice %arg10[%dma_wait3A, %dma_wait3A_27] : memref<10112x128xf32, #tpu.memory_space<vmem_shared>> -> memref<10112x128xf32, #tpu.memory_space<vmem_shared>>
        tpu.wait_indirect_dma semaphore(%run_scoped3A : memref<!tpu.dma_semaphore, #tpu.memory_space<semaphore_mem>>) src(%arg9 : memref<80x128xf32, #tpu.memory_space<vmem>>) dst(%dma_wait3A_28 : memref<10112x128xf32, #tpu.memory_space<vmem_shared>>)
        tpu.yield
      }) : () -> ()
    }
    %scan3A_15 = arith.constant 125 : i32
    %barrier3A_16 = arith.constant 0 : index
    tpu.barrier barrier_id(%barrier3A_16)
    "tpu.region"() ({
      %run_scoped3A = tpu.sem_alloc : memref<!tpu.dma_semaphore, #tpu.memory_space<semaphore_mem>>
      %dma_start3A = arith.constant 0 : i32
      %dma_start3A_17 = tpu.memref_slice %arg7[%arg0, %mul3A_0, %dma_start3A] : memref<2x10112x128xf32, #tpu.memory_space<hbm>> -> memref<1x632x128xf32, #tpu.memory_space<hbm>>
      %dma_start3A_18 = tpu.memref_squeeze %dma_start3A_17 : memref<1x632x128xf32, #tpu.memory_space<hbm>> -> memref<632x128xf32, #tpu.memory_space<hbm>>
      %dma_start3A_19 = arith.constant 0 : i32
      %dma_start3A_20 = tpu.memref_slice %arg10[%mul3A_0, %dma_start3A_19] : memref<10112x128xf32, #tpu.memory_space<vmem_shared>> -> memref<632x128xf32, #tpu.memory_space<vmem_shared>>
      tpu.enqueue_dma source(%dma_start3A_20 : memref<632x128xf32, #tpu.memory_space<vmem_shared>>) target(%dma_start3A_18 : memref<632x128xf32, #tpu.memory_space<hbm>>) target_semaphore(%run_scoped3A : memref<!tpu.dma_semaphore, #tpu.memory_space<semaphore_mem>>)
      %dma_wait3A = arith.constant 0 : i32
      %dma_wait3A_21 = tpu.memref_slice %arg7[%arg0, %mul3A_0, %dma_wait3A] : memref<2x10112x128xf32, #tpu.memory_space<hbm>> -> memref<1x632x128xf32, #tpu.memory_space<hbm>>
      %dma_wait3A_22 = tpu.memref_squeeze %dma_wait3A_21 : memref<1x632x128xf32, #tpu.memory_space<hbm>> -> memref<632x128xf32, #tpu.memory_space<hbm>>
      %dma_wait3A_23 = arith.constant 0 : i32
      %dma_wait3A_24 = tpu.memref_slice %arg10[%mul3A_0, %dma_wait3A_23] : memref<10112x128xf32, #tpu.memory_space<vmem_shared>> -> memref<632x128xf32, #tpu.memory_space<vmem_shared>>
      tpu.wait_dma2 semaphore(%run_scoped3A : memref<!tpu.dma_semaphore, #tpu.memory_space<semaphore_mem>>) src(%dma_wait3A_24 : memref<632x128xf32, #tpu.memory_space<vmem_shared>>) dst(%dma_wait3A_22 : memref<632x128xf32, #tpu.memory_space<hbm>>)
      tpu.yield
    }) : () -> ()
    return
  }
}

module attributes {stable_mosaic.version = 14 : i64} {
  func.func @_pre_body(%arg0: i32, %arg1: memref<1000x128xf32, #tpu.memory_space<vmem>>, %arg2: memref<128x128xf32, #tpu.memory_space<vmem>>, %arg3: memref<128x128xf32, #tpu.memory_space<vmem>>, %arg4: memref<1x128xf32, #tpu.memory_space<vmem>>, %arg5: memref<1000x128xf32, #tpu.memory_space<vmem>>, %arg6: memref<1000x128xf32, #tpu.memory_space<vmem>>) attributes {dimension_semantics = [#tpu.dimension_semantics<arbitrary>], iteration_bounds = array<i64: 10>, scalar_prefetch = 0 : i64, scratch_operands = 0 : i64, tpu.core_type = #tpu.core_type<tc>, window_params = [{transform_indices = @transform_0, window_bounds = array<i64: 1000, 128>}, {pipeline_mode = #tpu.pipeline_mode<synchronous>, transform_indices = @transform_1, window_bounds = array<i64: 128, 128>}, {pipeline_mode = #tpu.pipeline_mode<synchronous>, transform_indices = @transform_2, window_bounds = array<i64: 128, 128>}, {pipeline_mode = #tpu.pipeline_mode<synchronous>, transform_indices = @transform_3, window_bounds = array<i64: 1, 128>}, {transform_indices = @transform_4, window_bounds = array<i64: 1000, 128>}, {transform_indices = @transform_5, window_bounds = array<i64: 1000, 128>}]} {
    %get3A = arith.constant 0 : index
    %get3A_0 = arith.constant 0 : index
    %get3A_1 = vector.load %arg1[%get3A, %get3A_0] : memref<1000x128xf32, #tpu.memory_space<vmem>>, vector<1000x128xf32>
    %get3A_2 = arith.constant 0 : index
    %get3A_3 = arith.constant 0 : index
    %get3A_4 = vector.load %arg2[%get3A_2, %get3A_3] : memref<128x128xf32, #tpu.memory_space<vmem>>, vector<128x128xf32>
    %dot_general3A = arith.constant dense<0.000000e+00> : vector<1000x128xf32>
    %dot_general3A_5 = tpu.matmul %get3A_1, %get3A_4, %dot_general3A {dimension_numbers = #tpu.dot_dimension_numbers<[1], [0], [0], [1], [0, 0, 1, 1], [], []>, precision = #tpu.contract_precision<fp32>, transpose_lhs_hint = false} : vector<1000x128xf32>, vector<128x128xf32>, vector<1000x128xf32> -> vector<1000x128xf32>
    %get3A_6 = arith.constant 0 : index
    %get3A_7 = arith.constant 0 : index
    %get3A_8 = vector.load %arg4[%get3A_6, %get3A_7] : memref<1x128xf32, #tpu.memory_space<vmem>>, vector<1x128xf32>
    %add3A = vector.broadcast %get3A_8 : vector<1x128xf32> to vector<1000x128xf32>
    %add3A_9 = arith.addf %dot_general3A_5, %add3A : vector<1000x128xf32>
    %swap3A = arith.constant 0 : index
    %swap3A_10 = arith.constant 0 : index
    %swap3A_11 = vector.load %arg5[%swap3A, %swap3A_10] : memref<1000x128xf32, #tpu.memory_space<vmem>>, vector<1000x128xf32>
    tpu.vector_store %arg5[%swap3A, %swap3A_10], %add3A_9 {strides = array<i32>} : memref<1000x128xf32, #tpu.memory_space<vmem>>, vector<1000x128xf32>,
    %get3A_12 = arith.constant 0 : index
    %get3A_13 = arith.constant 0 : index
    %get3A_14 = vector.load %arg3[%get3A_12, %get3A_13] : memref<128x128xf32, #tpu.memory_space<vmem>>, vector<128x128xf32>
    %dot_general3A_15 = arith.constant dense<0.000000e+00> : vector<1000x128xf32>
    %dot_general3A_16 = tpu.matmul %get3A_1, %get3A_14, %dot_general3A_15 {dimension_numbers = #tpu.dot_dimension_numbers<[1], [0], [0], [1], [0, 0, 1, 1], [], []>, precision = #tpu.contract_precision<fp32>, transpose_lhs_hint = false} : vector<1000x128xf32>, vector<128x128xf32>, vector<1000x128xf32> -> vector<1000x128xf32>
    %swap3A_17 = arith.constant 0 : index
    %swap3A_18 = arith.constant 0 : index
    %swap3A_19 = vector.load %arg6[%swap3A_17, %swap3A_18] : memref<1000x128xf32, #tpu.memory_space<vmem>>, vector<1000x128xf32>
    tpu.vector_store %arg6[%swap3A_17, %swap3A_18], %dot_general3A_16 {strides = array<i32>} : memref<1000x128xf32, #tpu.memory_space<vmem>>, vector<1000x128xf32>,
    return
  }
  func.func @transform_0(%arg0: i32) -> (i32, i32) {
    %c0_i32 = arith.constant 0 : i32
    %c0_i32_0 = arith.constant 0 : i32
    return %arg0, %c0_i32 : i32, i32
  }
  func.func @transform_1(%arg0: i32) -> (i32, i32) {
    %c0_i32 = arith.constant 0 : i32
    %c0_i32_0 = arith.constant 0 : i32
    %c0_i32_1 = arith.constant 0 : i32
    return %c0_i32, %c0_i32_0 : i32, i32
  }
  func.func @transform_2(%arg0: i32) -> (i32, i32) {
    %c0_i32 = arith.constant 0 : i32
    %c0_i32_0 = arith.constant 0 : i32
    %c0_i32_1 = arith.constant 0 : i32
    return %c0_i32, %c0_i32_0 : i32, i32
  }
  func.func @transform_3(%arg0: i32) -> (i32, i32) {
    %c0_i32 = arith.constant 0 : i32
    %c0_i32_0 = arith.constant 0 : i32
    %c0_i32_1 = arith.constant 0 : i32
    return %c0_i32, %c0_i32_0 : i32, i32
  }
  func.func @transform_4(%arg0: i32) -> (i32, i32) {
    %c0_i32 = arith.constant 0 : i32
    %c0_i32_0 = arith.constant 0 : i32
    return %arg0, %c0_i32 : i32, i32
  }
  func.func @transform_5(%arg0: i32) -> (i32, i32) {
    %c0_i32 = arith.constant 0 : i32
    %c0_i32_0 = arith.constant 0 : i32
    return %arg0, %c0_i32 : i32, i32
  }
}

module attributes {stable_mosaic.version = 14 : i64} {
  func.func @_edge_body(%arg0: i32, %arg1: memref<512x128xf32, #tpu.memory_space<vmem>>, %arg2: memref<512x128xf32, #tpu.memory_space<vmem>>, %arg3: memref<512xf32, #tpu.memory_space<vmem>>, %arg4: memref<512xf32, #tpu.memory_space<vmem>>, %arg5: memref<512xf32, #tpu.memory_space<vmem>>, %arg6: memref<512x16xf32, #tpu.memory_space<vmem>>, %arg7: memref<3x16xf32, #tpu.memory_space<vmem>>, %arg8: memref<1x128xf32, #tpu.memory_space<vmem>>, %arg9: memref<16x128xf32, #tpu.memory_space<vmem>>, %arg10: memref<128x128xf32, #tpu.memory_space<vmem>>, %arg11: memref<1x128xf32, #tpu.memory_space<vmem>>, %arg12: memref<128x128xf32, #tpu.memory_space<vmem>>, %arg13: memref<1x128xf32, #tpu.memory_space<vmem>>, %arg14: memref<1x128xf32, #tpu.memory_space<vmem>>, %arg15: memref<512x128xf32, #tpu.memory_space<vmem>>, %arg16: memref<512x128xf32, #tpu.memory_space<vmem>>) attributes {dimension_semantics = [#tpu.dimension_semantics<arbitrary>], iteration_bounds = array<i64: 625>, scalar_prefetch = 0 : i64, scratch_operands = 0 : i64, tpu.core_type = #tpu.core_type<tc>, window_params = [{transform_indices = @transform_0, window_bounds = array<i64: 512, 128>}, {transform_indices = @transform_1, window_bounds = array<i64: 512, 128>}, {transform_indices = @transform_2, window_bounds = array<i64: 512>}, {transform_indices = @transform_3, window_bounds = array<i64: 512>}, {transform_indices = @transform_4, window_bounds = array<i64: 512>}, {transform_indices = @transform_5, window_bounds = array<i64: 512, 16>}, {pipeline_mode = #tpu.pipeline_mode<synchronous>, transform_indices = @transform_6, window_bounds = array<i64: 3, 16>}, {pipeline_mode = #tpu.pipeline_mode<synchronous>, transform_indices = @transform_7, window_bounds = array<i64: 1, 128>}, {pipeline_mode = #tpu.pipeline_mode<synchronous>, transform_indices = @transform_8, window_bounds = array<i64: 16, 128>}, {pipeline_mode = #tpu.pipeline_mode<synchronous>, transform_indices = @transform_9, window_bounds = array<i64: 128, 128>}, {pipeline_mode = #tpu.pipeline_mode<synchronous>, transform_indices = @transform_10, window_bounds = array<i64: 1, 128>}, {pipeline_mode = #tpu.pipeline_mode<synchronous>, transform_indices = @transform_11, window_bounds = array<i64: 128, 128>}, {pipeline_mode = #tpu.pipeline_mode<synchronous>, transform_indices = @transform_12, window_bounds = array<i64: 1, 128>}, {pipeline_mode = #tpu.pipeline_mode<synchronous>, transform_indices = @transform_13, window_bounds = array<i64: 1, 128>}, {transform_indices = @transform_14, window_bounds = array<i64: 512, 128>}, {transform_indices = @transform_15, window_bounds = array<i64: 512, 128>}]} {
    %get3A = arith.constant 0 : index
    %get3A_0 = vector.load %arg3[%get3A] : memref<512xf32, #tpu.memory_space<vmem>>, vector<512xf32>
    %reshape3A = vector.shape_cast %get3A_0 : vector<512xf32> to vector<1x512xf32>
    %get3A_1 = arith.constant 0 : index
    %get3A_2 = vector.load %arg4[%get3A_1] : memref<512xf32, #tpu.memory_space<vmem>>, vector<512xf32>
    %reshape3A_3 = vector.shape_cast %get3A_2 : vector<512xf32> to vector<1x512xf32>
    %get3A_4 = arith.constant 0 : index
    %get3A_5 = vector.load %arg5[%get3A_4] : memref<512xf32, #tpu.memory_space<vmem>>, vector<512xf32>
    %reshape3A_6 = vector.shape_cast %get3A_5 : vector<512xf32> to vector<1x512xf32>
    %concatenate3A = tpu.concatenate %reshape3A, %reshape3A_3, %reshape3A_6 in 0 : vector<1x512xf32>, vector<1x512xf32>, vector<1x512xf32> -> vector<3x512xf32>
    %get3A_7 = arith.constant 0 : index
    %get3A_8 = arith.constant 0 : index
    %get3A_9 = vector.load %arg7[%get3A_7, %get3A_8] : memref<3x16xf32, #tpu.memory_space<vmem>>, vector<3x16xf32>
    %dot_general3A = arith.constant dense<0.000000e+00> : vector<512x16xf32>
    %dot_general3A_10 = tpu.matmul %concatenate3A, %get3A_9, %dot_general3A {dimension_numbers = #tpu.dot_dimension_numbers<[0], [0], [1], [1], [0, 1, 1, 1], [], []>, precision = #tpu.contract_precision<fp32>, transpose_lhs_hint = false} : vector<3x512xf32>, vector<3x16xf32>, vector<512x16xf32> -> vector<512x16xf32>
    %mul3A = arith.mulf %dot_general3A_10, %dot_general3A_10 : vector<512x16xf32>
    %reduce_sum3A = arith.constant dense<0.000000e+00> : vector<512xf32>
    %reduce_sum3A_11 = vector.multi_reduction <add>, %mul3A, %reduce_sum3A [1] : vector<512x16xf32> to vector<512xf32>
    %broadcast_in_dim3A = vector.shape_cast %reduce_sum3A_11 : vector<512xf32> to vector<512x1xf32>
    %get3A_12 = arith.constant 0 : index
    %get3A_13 = arith.constant 0 : index
    %get3A_14 = vector.load %arg1[%get3A_12, %get3A_13] : memref<512x128xf32, #tpu.memory_space<vmem>>, vector<512x128xf32>
    %get3A_15 = arith.constant 0 : index
    %get3A_16 = arith.constant 0 : index
    %get3A_17 = vector.load %arg2[%get3A_15, %get3A_16] : memref<512x128xf32, #tpu.memory_space<vmem>>, vector<512x128xf32>
    %add3A = arith.addf %get3A_14, %get3A_17 : vector<512x128xf32>
    %get3A_18 = arith.constant 0 : index
    %get3A_19 = arith.constant 0 : index
    %get3A_20 = vector.load %arg8[%get3A_18, %get3A_19] : memref<1x128xf32, #tpu.memory_space<vmem>>, vector<1x128xf32>
    %mul3A_21 = vector.broadcast %broadcast_in_dim3A : vector<512x1xf32> to vector<512x128xf32>
    %mul3A_22 = vector.broadcast %get3A_20 : vector<1x128xf32> to vector<512x128xf32>
    %mul3A_23 = arith.mulf %mul3A_21, %mul3A_22 : vector<512x128xf32>
    %add3A_24 = arith.addf %add3A, %mul3A_23 : vector<512x128xf32>
    %get3A_25 = arith.constant 0 : index
    %get3A_26 = arith.constant 0 : index
    %get3A_27 = vector.load %arg6[%get3A_25, %get3A_26] : memref<512x16xf32, #tpu.memory_space<vmem>>, vector<512x16xf32>
    %get3A_28 = arith.constant 0 : index
    %get3A_29 = arith.constant 0 : index
    %get3A_30 = vector.load %arg9[%get3A_28, %get3A_29] : memref<16x128xf32, #tpu.memory_space<vmem>>, vector<16x128xf32>
    %dot_general3A_31 = arith.constant dense<0.000000e+00> : vector<512x128xf32>
    %dot_general3A_32 = tpu.matmul %get3A_27, %get3A_30, %dot_general3A_31 {dimension_numbers = #tpu.dot_dimension_numbers<[1], [0], [0], [1], [0, 0, 1, 1], [], []>, precision = #tpu.contract_precision<fp32>, transpose_lhs_hint = false} : vector<512x16xf32>, vector<16x128xf32>, vector<512x128xf32> -> vector<512x128xf32>
    %add3A_33 = arith.addf %add3A_24, %dot_general3A_32 : vector<512x128xf32>
    %logistic3A = arith.negf %add3A_33 : vector<512x128xf32>
    %logistic3A_34 = math.exp %logistic3A : vector<512x128xf32>
    %logistic3A_35 = arith.constant 1.000000e+00 : f32
    %logistic3A_36 = vector.broadcast %logistic3A_35 : f32 to vector<512x128xf32>
    %logistic3A_37 = arith.addf %logistic3A_36, %logistic3A_34 : vector<512x128xf32>
    %logistic3A_38 = arith.divf %logistic3A_36, %logistic3A_37 : vector<512x128xf32>
    %mul3A_39 = arith.mulf %add3A_33, %logistic3A_38 : vector<512x128xf32>
    %get3A_40 = arith.constant 0 : index
    %get3A_41 = arith.constant 0 : index
    %get3A_42 = vector.load %arg10[%get3A_40, %get3A_41] : memref<128x128xf32, #tpu.memory_space<vmem>>, vector<128x128xf32>
    %dot_general3A_43 = arith.constant dense<0.000000e+00> : vector<512x128xf32>
    %dot_general3A_44 = tpu.matmul %mul3A_39, %get3A_42, %dot_general3A_43 {dimension_numbers = #tpu.dot_dimension_numbers<[1], [0], [0], [1], [0, 0, 1, 1], [], []>, transpose_lhs_hint = false} : vector<512x128xf32>, vector<128x128xf32>, vector<512x128xf32> -> vector<512x128xf32>
    %get3A_45 = arith.constant 0 : index
    %get3A_46 = arith.constant 0 : index
    %get3A_47 = vector.load %arg11[%get3A_45, %get3A_46] : memref<1x128xf32, #tpu.memory_space<vmem>>, vector<1x128xf32>
    %add3A_48 = vector.broadcast %get3A_47 : vector<1x128xf32> to vector<512x128xf32>
    %add3A_49 = arith.addf %dot_general3A_44, %add3A_48 : vector<512x128xf32>
    %logistic3A_50 = arith.negf %add3A_49 : vector<512x128xf32>
    %logistic3A_51 = math.exp %logistic3A_50 : vector<512x128xf32>
    %logistic3A_52 = arith.constant 1.000000e+00 : f32
    %logistic3A_53 = vector.broadcast %logistic3A_52 : f32 to vector<512x128xf32>
    %logistic3A_54 = arith.addf %logistic3A_53, %logistic3A_51 : vector<512x128xf32>
    %logistic3A_55 = arith.divf %logistic3A_53, %logistic3A_54 : vector<512x128xf32>
    %mul3A_56 = arith.mulf %add3A_49, %logistic3A_55 : vector<512x128xf32>
    %get3A_57 = arith.constant 0 : index
    %get3A_58 = arith.constant 0 : index
    %get3A_59 = vector.load %arg12[%get3A_57, %get3A_58] : memref<128x128xf32, #tpu.memory_space<vmem>>, vector<128x128xf32>
    %dot_general3A_60 = arith.constant dense<0.000000e+00> : vector<512x128xf32>
    %dot_general3A_61 = tpu.matmul %mul3A_56, %get3A_59, %dot_general3A_60 {dimension_numbers = #tpu.dot_dimension_numbers<[1], [0], [0], [1], [0, 0, 1, 1], [], []>, transpose_lhs_hint = false} : vector<512x128xf32>, vector<128x128xf32>, vector<512x128xf32> -> vector<512x128xf32>
    %get3A_62 = arith.constant 0 : index
    %get3A_63 = arith.constant 0 : index
    %get3A_64 = vector.load %arg13[%get3A_62, %get3A_63] : memref<1x128xf32, #tpu.memory_space<vmem>>, vector<1x128xf32>
    %add3A_65 = vector.broadcast %get3A_64 : vector<1x128xf32> to vector<512x128xf32>
    %add3A_66 = arith.addf %dot_general3A_61, %add3A_65 : vector<512x128xf32>
    %logistic3A_67 = arith.negf %add3A_66 : vector<512x128xf32>
    %logistic3A_68 = math.exp %logistic3A_67 : vector<512x128xf32>
    %logistic3A_69 = arith.constant 1.000000e+00 : f32
    %logistic3A_70 = vector.broadcast %logistic3A_69 : f32 to vector<512x128xf32>
    %logistic3A_71 = arith.addf %logistic3A_70, %logistic3A_68 : vector<512x128xf32>
    %logistic3A_72 = arith.divf %logistic3A_70, %logistic3A_71 : vector<512x128xf32>
    %mul3A_73 = arith.mulf %add3A_66, %logistic3A_72 : vector<512x128xf32>
    %get3A_74 = arith.constant 0 : index
    %get3A_75 = arith.constant 0 : index
    %get3A_76 = vector.load %arg14[%get3A_74, %get3A_75] : memref<1x128xf32, #tpu.memory_space<vmem>>, vector<1x128xf32>
    %dot_general3A_77 = arith.constant dense<0.000000e+00> : vector<512x1xf32>
    %dot_general3A_78 = tpu.matmul %mul3A_73, %get3A_76, %dot_general3A_77 {dimension_numbers = #tpu.dot_dimension_numbers<[1], [1], [0], [0], [0, 0, 1, 0], [], []>, precision = #tpu.contract_precision<fp32>, transpose_lhs_hint = false} : vector<512x128xf32>, vector<1x128xf32>, vector<512x1xf32> -> vector<512x1xf32>
    %tanh3A = math.tanh %dot_general3A_78 : vector<512x1xf32>
    %add3A_79 = arith.constant 9.99999993E-9 : f32
    %add3A_80 = vector.broadcast %add3A_79 : f32 to vector<512x1xf32>
    %add3A_81 = arith.addf %broadcast_in_dim3A, %add3A_80 : vector<512x1xf32>
    %sqrt3A = math.sqrt %add3A_81 : vector<512x1xf32>
    %add3A_82 = arith.constant 9.99999993E-9 : f32
    %add3A_83 = vector.broadcast %add3A_82 : f32 to vector<512x1xf32>
    %add3A_84 = arith.addf %sqrt3A, %add3A_83 : vector<512x1xf32>
    %div3A = arith.divf %tanh3A, %add3A_84 : vector<512x1xf32>
    %swap3A = arith.constant 0 : index
    %swap3A_85 = arith.constant 0 : index
    %swap3A_86 = vector.load %arg15[%swap3A, %swap3A_85] : memref<512x128xf32, #tpu.memory_space<vmem>>, vector<512x128xf32>
    tpu.vector_store %arg15[%swap3A, %swap3A_85], %mul3A_56 {strides = array<i32>} : memref<512x128xf32, #tpu.memory_space<vmem>>, vector<512x128xf32>,
    %mul3A_87 = vector.broadcast %div3A : vector<512x1xf32> to vector<512x16xf32>
    %mul3A_88 = arith.mulf %dot_general3A_10, %mul3A_87 : vector<512x16xf32>
    %broadcast_in_dim3A_89 = arith.constant 0.000000e+00 : f32
    %broadcast_in_dim3A_90 = vector.broadcast %broadcast_in_dim3A_89 : f32 to vector<512x112xf32>
    %concatenate3A_91 = tpu.concatenate %mul3A_88, %broadcast_in_dim3A_90 in 1 : vector<512x16xf32>, vector<512x112xf32> -> vector<512x128xf32>
    %swap3A_92 = arith.constant 0 : index
    %swap3A_93 = arith.constant 0 : index
    %swap3A_94 = vector.load %arg16[%swap3A_92, %swap3A_93] : memref<512x128xf32, #tpu.memory_space<vmem>>, vector<512x128xf32>
    tpu.vector_store %arg16[%swap3A_92, %swap3A_93], %concatenate3A_91 {strides = array<i32>} : memref<512x128xf32, #tpu.memory_space<vmem>>, vector<512x128xf32>,
    return
  }
  func.func @transform_0(%arg0: i32) -> (i32, i32) {
    %c0_i32 = arith.constant 0 : i32
    %c0_i32_0 = arith.constant 0 : i32
    return %arg0, %c0_i32 : i32, i32
  }
  func.func @transform_1(%arg0: i32) -> (i32, i32) {
    %c0_i32 = arith.constant 0 : i32
    %c0_i32_0 = arith.constant 0 : i32
    return %arg0, %c0_i32 : i32, i32
  }
  func.func @transform_2(%arg0: i32) -> i32 {
    %c0_i32 = arith.constant 0 : i32
    return %arg0 : i32
  }
  func.func @transform_3(%arg0: i32) -> i32 {
    %c0_i32 = arith.constant 0 : i32
    return %arg0 : i32
  }
  func.func @transform_4(%arg0: i32) -> i32 {
    %c0_i32 = arith.constant 0 : i32
    return %arg0 : i32
  }
  func.func @transform_5(%arg0: i32) -> (i32, i32) {
    %c0_i32 = arith.constant 0 : i32
    %c0_i32_0 = arith.constant 0 : i32
    return %arg0, %c0_i32 : i32, i32
  }
  func.func @transform_6(%arg0: i32) -> (i32, i32) {
    %c0_i32 = arith.constant 0 : i32
    %c0_i32_0 = arith.constant 0 : i32
    %c0_i32_1 = arith.constant 0 : i32
    return %c0_i32, %c0_i32_0 : i32, i32
  }
  func.func @transform_7(%arg0: i32) -> (i32, i32) {
    %c0_i32 = arith.constant 0 : i32
    %c0_i32_0 = arith.constant 0 : i32
    %c0_i32_1 = arith.constant 0 : i32
    return %c0_i32, %c0_i32_0 : i32, i32
  }
  func.func @transform_8(%arg0: i32) -> (i32, i32) {
    %c0_i32 = arith.constant 0 : i32
    %c0_i32_0 = arith.constant 0 : i32
    %c0_i32_1 = arith.constant 0 : i32
    return %c0_i32, %c0_i32_0 : i32, i32
  }
  func.func @transform_9(%arg0: i32) -> (i32, i32) {
    %c0_i32 = arith.constant 0 : i32
    %c0_i32_0 = arith.constant 0 : i32
    %c0_i32_1 = arith.constant 0 : i32
    return %c0_i32, %c0_i32_0 : i32, i32
  }
  func.func @transform_10(%arg0: i32) -> (i32, i32) {
    %c0_i32 = arith.constant 0 : i32
    %c0_i32_0 = arith.constant 0 : i32
    %c0_i32_1 = arith.constant 0 : i32
    return %c0_i32, %c0_i32_0 : i32, i32
  }
  func.func @transform_11(%arg0: i32) -> (i32, i32) {
    %c0_i32 = arith.constant 0 : i32
    %c0_i32_0 = arith.constant 0 : i32
    %c0_i32_1 = arith.constant 0 : i32
    return %c0_i32, %c0_i32_0 : i32, i32
  }
  func.func @transform_12(%arg0: i32) -> (i32, i32) {
    %c0_i32 = arith.constant 0 : i32
    %c0_i32_0 = arith.constant 0 : i32
    %c0_i32_1 = arith.constant 0 : i32
    return %c0_i32, %c0_i32_0 : i32, i32
  }
  func.func @transform_13(%arg0: i32) -> (i32, i32) {
    %c0_i32 = arith.constant 0 : i32
    %c0_i32_0 = arith.constant 0 : i32
    %c0_i32_1 = arith.constant 0 : i32
    return %c0_i32, %c0_i32_0 : i32, i32
  }
  func.func @transform_14(%arg0: i32) -> (i32, i32) {
    %c0_i32 = arith.constant 0 : i32
    %c0_i32_0 = arith.constant 0 : i32
    return %arg0, %c0_i32 : i32, i32
  }
  func.func @transform_15(%arg0: i32) -> (i32, i32) {
    %c0_i32 = arith.constant 0 : i32
    %c0_i32_0 = arith.constant 0 : i32
    return %arg0, %c0_i32 : i32, i32
  }
}

module attributes {stable_mosaic.version = 14 : i64} {
  func.func @_node_body(%arg0: i32, %arg1: memref<1000x128xf32, #tpu.memory_space<vmem>>, %arg2: memref<1000x16xf32, #tpu.memory_space<vmem>>, %arg3: memref<2x1000x128xf32, #tpu.memory_space<vmem>>, %arg4: memref<2x1000x128xf32, #tpu.memory_space<vmem>>, %arg5: memref<128x128xf32, #tpu.memory_space<vmem>>, %arg6: memref<128x128xf32, #tpu.memory_space<vmem>>, %arg7: memref<1x128xf32, #tpu.memory_space<vmem>>, %arg8: memref<128x128xf32, #tpu.memory_space<vmem>>, %arg9: memref<1x128xf32, #tpu.memory_space<vmem>>, %arg10: memref<1000x128xf32, #tpu.memory_space<vmem>>, %arg11: memref<1000x16xf32, #tpu.memory_space<vmem>>) attributes {dimension_semantics = [#tpu.dimension_semantics<arbitrary>], iteration_bounds = array<i64: 10>, scalar_prefetch = 0 : i64, scratch_operands = 0 : i64, tpu.core_type = #tpu.core_type<tc>, window_params = [{transform_indices = @transform_0, window_bounds = array<i64: 1000, 128>}, {transform_indices = @transform_1, window_bounds = array<i64: 1000, 16>}, {transform_indices = @transform_2, window_bounds = array<i64: 2, 1000, 128>}, {transform_indices = @transform_3, window_bounds = array<i64: 2, 1000, 128>}, {pipeline_mode = #tpu.pipeline_mode<synchronous>, transform_indices = @transform_4, window_bounds = array<i64: 128, 128>}, {pipeline_mode = #tpu.pipeline_mode<synchronous>, transform_indices = @transform_5, window_bounds = array<i64: 128, 128>}, {pipeline_mode = #tpu.pipeline_mode<synchronous>, transform_indices = @transform_6, window_bounds = array<i64: 1, 128>}, {pipeline_mode = #tpu.pipeline_mode<synchronous>, transform_indices = @transform_7, window_bounds = array<i64: 128, 128>}, {pipeline_mode = #tpu.pipeline_mode<synchronous>, transform_indices = @transform_8, window_bounds = array<i64: 1, 128>}, {transform_indices = @transform_9, window_bounds = array<i64: 1000, 128>}, {transform_indices = @transform_10, window_bounds = array<i64: 1000, 16>}]} {
    %get3A = arith.constant 0 : index
    %get3A_0 = arith.constant 0 : index
    %get3A_1 = vector.load %arg1[%get3A, %get3A_0] : memref<1000x128xf32, #tpu.memory_space<vmem>>, vector<1000x128xf32>
    %get3A_2 = arith.constant 0 : index
    %get3A_3 = arith.constant 0 : index
    %get3A_4 = arith.constant 0 : index
    %get3A_5 = vector.load %arg3[%get3A_2, %get3A_3, %get3A_4] : memref<2x1000x128xf32, #tpu.memory_space<vmem>>, vector<1x1000x128xf32>
    %get3A_6 = vector.shape_cast %get3A_5 : vector<1x1000x128xf32> to vector<1000x128xf32>
    %get3A_7 = arith.constant 1 : index
    %get3A_8 = arith.constant 0 : index
    %get3A_9 = arith.constant 0 : index
    %get3A_10 = vector.load %arg3[%get3A_7, %get3A_8, %get3A_9] : memref<2x1000x128xf32, #tpu.memory_space<vmem>>, vector<1x1000x128xf32>
    %get3A_11 = vector.shape_cast %get3A_10 : vector<1x1000x128xf32> to vector<1000x128xf32>
    %add3A = arith.addf %get3A_6, %get3A_11 : vector<1000x128xf32>
    %get3A_12 = arith.constant 0 : index
    %get3A_13 = arith.constant 0 : index
    %get3A_14 = arith.constant 0 : index
    %get3A_15 = vector.load %arg4[%get3A_12, %get3A_13, %get3A_14] : memref<2x1000x128xf32, #tpu.memory_space<vmem>>, vector<1x1000x128xf32>
    %get3A_16 = vector.shape_cast %get3A_15 : vector<1x1000x128xf32> to vector<1000x128xf32>
    %get3A_17 = arith.constant 1 : index
    %get3A_18 = arith.constant 0 : index
    %get3A_19 = arith.constant 0 : index
    %get3A_20 = vector.load %arg4[%get3A_17, %get3A_18, %get3A_19] : memref<2x1000x128xf32, #tpu.memory_space<vmem>>, vector<1x1000x128xf32>
    %get3A_21 = vector.shape_cast %get3A_20 : vector<1x1000x128xf32> to vector<1000x128xf32>
    %add3A_22 = arith.addf %get3A_16, %get3A_21 : vector<1000x128xf32>
    %get3A_23 = arith.constant 0 : index
    %get3A_24 = arith.constant 0 : index
    %get3A_25 = vector.load %arg5[%get3A_23, %get3A_24] : memref<128x128xf32, #tpu.memory_space<vmem>>, vector<128x128xf32>
    %dot_general3A = arith.constant dense<0.000000e+00> : vector<1000x128xf32>
    %dot_general3A_26 = tpu.matmul %get3A_1, %get3A_25, %dot_general3A {dimension_numbers = #tpu.dot_dimension_numbers<[1], [0], [0], [1], [0, 0, 1, 1], [], []>, precision = #tpu.contract_precision<fp32>, transpose_lhs_hint = false} : vector<1000x128xf32>, vector<128x128xf32>, vector<1000x128xf32> -> vector<1000x128xf32>
    %get3A_27 = arith.constant 0 : index
    %get3A_28 = arith.constant 0 : index
    %get3A_29 = vector.load %arg6[%get3A_27, %get3A_28] : memref<128x128xf32, #tpu.memory_space<vmem>>, vector<128x128xf32>
    %dot_general3A_30 = arith.constant dense<0.000000e+00> : vector<1000x128xf32>
    %dot_general3A_31 = tpu.matmul %add3A, %get3A_29, %dot_general3A_30 {dimension_numbers = #tpu.dot_dimension_numbers<[1], [0], [0], [1], [0, 0, 1, 1], [], []>, precision = #tpu.contract_precision<fp32>, transpose_lhs_hint = false} : vector<1000x128xf32>, vector<128x128xf32>, vector<1000x128xf32> -> vector<1000x128xf32>
    %add3A_32 = arith.addf %dot_general3A_26, %dot_general3A_31 : vector<1000x128xf32>
    %get3A_33 = arith.constant 0 : index
    %get3A_34 = arith.constant 0 : index
    %get3A_35 = vector.load %arg7[%get3A_33, %get3A_34] : memref<1x128xf32, #tpu.memory_space<vmem>>, vector<1x128xf32>
    %add3A_36 = vector.broadcast %get3A_35 : vector<1x128xf32> to vector<1000x128xf32>
    %add3A_37 = arith.addf %add3A_32, %add3A_36 : vector<1000x128xf32>
    %logistic3A = arith.negf %add3A_37 : vector<1000x128xf32>
    %logistic3A_38 = math.exp %logistic3A : vector<1000x128xf32>
    %logistic3A_39 = arith.constant 1.000000e+00 : f32
    %logistic3A_40 = vector.broadcast %logistic3A_39 : f32 to vector<1000x128xf32>
    %logistic3A_41 = arith.addf %logistic3A_40, %logistic3A_38 : vector<1000x128xf32>
    %logistic3A_42 = arith.divf %logistic3A_40, %logistic3A_41 : vector<1000x128xf32>
    %mul3A = arith.mulf %add3A_37, %logistic3A_42 : vector<1000x128xf32>
    %get3A_43 = arith.constant 0 : index
    %get3A_44 = arith.constant 0 : index
    %get3A_45 = vector.load %arg8[%get3A_43, %get3A_44] : memref<128x128xf32, #tpu.memory_space<vmem>>, vector<128x128xf32>
    %dot_general3A_46 = arith.constant dense<0.000000e+00> : vector<1000x128xf32>
    %dot_general3A_47 = tpu.matmul %mul3A, %get3A_45, %dot_general3A_46 {dimension_numbers = #tpu.dot_dimension_numbers<[1], [0], [0], [1], [0, 0, 1, 1], [], []>, precision = #tpu.contract_precision<fp32>, transpose_lhs_hint = false} : vector<1000x128xf32>, vector<128x128xf32>, vector<1000x128xf32> -> vector<1000x128xf32>
    %add3A_48 = arith.addf %get3A_1, %dot_general3A_47 : vector<1000x128xf32>
    %get3A_49 = arith.constant 0 : index
    %get3A_50 = arith.constant 0 : index
    %get3A_51 = vector.load %arg9[%get3A_49, %get3A_50] : memref<1x128xf32, #tpu.memory_space<vmem>>, vector<1x128xf32>
    %add3A_52 = vector.broadcast %get3A_51 : vector<1x128xf32> to vector<1000x128xf32>
    %add3A_53 = arith.addf %add3A_48, %add3A_52 : vector<1000x128xf32>
    %swap3A = arith.constant 0 : index
    %swap3A_54 = arith.constant 0 : index
    %swap3A_55 = vector.load %arg10[%swap3A, %swap3A_54] : memref<1000x128xf32, #tpu.memory_space<vmem>>, vector<1000x128xf32>
    tpu.vector_store %arg10[%swap3A, %swap3A_54], %add3A_53 {strides = array<i32>} : memref<1000x128xf32, #tpu.memory_space<vmem>>, vector<1000x128xf32>,
    %get3A_56 = arith.constant 0 : index
    %get3A_57 = arith.constant 0 : index
    %get3A_58 = vector.load %arg2[%get3A_56, %get3A_57] : memref<1000x16xf32, #tpu.memory_space<vmem>>, vector<1000x16xf32>
    %slice3A = vector.extract_strided_slice %add3A_22 {offsets = [0, 0], sizes = [1000, 16], strides = [1, 1]} : vector<1000x128xf32> to vector<1000x16xf32>
    %add3A_59 = arith.addf %get3A_58, %slice3A : vector<1000x16xf32>
    %swap3A_60 = arith.constant 0 : index
    %swap3A_61 = arith.constant 0 : index
    %swap3A_62 = vector.load %arg11[%swap3A_60, %swap3A_61] : memref<1000x16xf32, #tpu.memory_space<vmem>>, vector<1000x16xf32>
    tpu.vector_store %arg11[%swap3A_60, %swap3A_61], %add3A_59 {strides = array<i32>} : memref<1000x16xf32, #tpu.memory_space<vmem>>, vector<1000x16xf32>,
    return
  }
  func.func @transform_0(%arg0: i32) -> (i32, i32) {
    %c0_i32 = arith.constant 0 : i32
    %c0_i32_0 = arith.constant 0 : i32
    return %arg0, %c0_i32 : i32, i32
  }
  func.func @transform_1(%arg0: i32) -> (i32, i32) {
    %c0_i32 = arith.constant 0 : i32
    %c0_i32_0 = arith.constant 0 : i32
    return %arg0, %c0_i32 : i32, i32
  }
  func.func @transform_2(%arg0: i32) -> (i32, i32, i32) {
    %c0_i32 = arith.constant 0 : i32
    %c0_i32_0 = arith.constant 0 : i32
    %c0_i32_1 = arith.constant 0 : i32
    return %c0_i32, %arg0, %c0_i32_0 : i32, i32, i32
  }
  func.func @transform_3(%arg0: i32) -> (i32, i32, i32) {
    %c0_i32 = arith.constant 0 : i32
    %c0_i32_0 = arith.constant 0 : i32
    %c0_i32_1 = arith.constant 0 : i32
    return %c0_i32, %arg0, %c0_i32_0 : i32, i32, i32
  }
  func.func @transform_4(%arg0: i32) -> (i32, i32) {
    %c0_i32 = arith.constant 0 : i32
    %c0_i32_0 = arith.constant 0 : i32
    %c0_i32_1 = arith.constant 0 : i32
    return %c0_i32, %c0_i32_0 : i32, i32
  }
  func.func @transform_5(%arg0: i32) -> (i32, i32) {
    %c0_i32 = arith.constant 0 : i32
    %c0_i32_0 = arith.constant 0 : i32
    %c0_i32_1 = arith.constant 0 : i32
    return %c0_i32, %c0_i32_0 : i32, i32
  }
  func.func @transform_6(%arg0: i32) -> (i32, i32) {
    %c0_i32 = arith.constant 0 : i32
    %c0_i32_0 = arith.constant 0 : i32
    %c0_i32_1 = arith.constant 0 : i32
    return %c0_i32, %c0_i32_0 : i32, i32
  }
  func.func @transform_7(%arg0: i32) -> (i32, i32) {
    %c0_i32 = arith.constant 0 : i32
    %c0_i32_0 = arith.constant 0 : i32
    %c0_i32_1 = arith.constant 0 : i32
    return %c0_i32, %c0_i32_0 : i32, i32
  }
  func.func @transform_8(%arg0: i32) -> (i32, i32) {
    %c0_i32 = arith.constant 0 : i32
    %c0_i32_0 = arith.constant 0 : i32
    %c0_i32_1 = arith.constant 0 : i32
    return %c0_i32, %c0_i32_0 : i32, i32
  }
  func.func @transform_9(%arg0: i32) -> (i32, i32) {
    %c0_i32 = arith.constant 0 : i32
    %c0_i32_0 = arith.constant 0 : i32
    return %arg0, %c0_i32 : i32, i32
  }
  func.func @transform_10(%arg0: i32) -> (i32, i32) {
    %c0_i32 = arith.constant 0 : i32
    %c0_i32_0 = arith.constant 0 : i32
    return %arg0, %c0_i32 : i32, i32
  }
}

</mosaic_0001>

<sc_bundles>
// kernel: kernel.10.cloned.1.call-start
scs
__scs_entry_jumppad:
0x0: {  	(pc) =	sbr.rel $0x88, $3  }
0x1: {  	(tag) =	ssettag $0x0;
	lr =	simm.s32 $0x1  }
0x2: {  	[smem:$0x3F92] =	sst lr;
	_ =	strace $0xD0000000  }
0x3: {  	_ = 	snop  }
0x4: {  	_ = 	snop  }
0x5: {  	_ = 	snop  }
0x6: {  	_ = 	snop  }
0x7: {  	_ = 	snop  }
__scs_overlays_trampoline_lowered:
0x8: {  	[smem:$0x3FA1] =	sst s0  }
0x9: {  	[smem:$0x3FA2] =	sst s1  }
0xa: {  	[smem:$0x3FA3] =	sst s2  }
0xb: {  	[smem:$0x3FA4] =	sst s3  }
0xc: {  	[smem:$0x3FA5] =	sst s4  }
0xd: {  	[smem:$0x3FA6] =	sst s5  }
0xe: {  	[smem:$0x3FA7] =	sst s6  }
0xf: {  	[smem:$0x3FA8] =	sst s7  }
0x10: {  	[smem:$0x3FA9] =	sst s8  }
0x11: {  	[smem:$0x3FAA] =	sst s9;
	s0 =	simm.s32 @!p0 $0x0  }
0x12: {  	s1 =	sld [smem:$0x3F90];
	s0 =	simm.s32 @p0 $0x1  }
0x13: {  	[smem:$0x3FAB] =	sst s0;
	s0 =	simm.s32 @!p1 $0x0  }
0x14: {  	s2 =	sld [smem:$0x3F8F];
	s0 =	simm.s32 @p1 $0x1  }
0x15: {  	[smem:$0x3FAC] =	sst s0;
	s0 =	simm.s32 @!p2 $0x0  }
0x16: {  	s3 =	sld [smem:$0x3FDB];
	s0 =	simm.s32 @p2 $0x1  }
0x17: {  	s4 =	simm.s32 $0x1BF5;
	[smem:$0x3FAE] =	sst s0  }
0x18: {  	s0 =	sld [smem:$0x3F91];
	_ =	swait.ge [sflag:s4], $0x0  }
0x19: {  	s7 =	sld [smem:$0x3F92]  }
0x1a: {  	s8 =	sadd.s32 $0xFFFFE003, lr  }
0x1b: {  	s9 =	sadd.s32 $0xFFFFFEF7, lr;
	s5 =	simm.s32 $0xFFFFFFFF;
	p2 =	slt.u32 s8, $0xFFFFF086  }
0x1c: {  	p1 =	slt.u32 s9, $0xF7A;
	s5 =	simm.s32 @!p2 $0x0  }
0x1d: {  	s5 =	simm.s32 @p1 $0x1;
	p0 =	seq.s32 s7, s2  }
0x1e: {  	s7 =	smul.u32 @!p0 $0xF7A, s2;
	p2 =	seq.s32 @!p0 s5, $0x0  }
0x1f: {  	s9 =	smul.u32 $0xF7A, s1;
	s8 =	simm.s32 @!p0 $0x1BF5;
	p2 =	por !p2, p0  }
0x20: {  	[sflag:s8] =	ssyncset.s32 @!p0 $0xFFFFF086;
	s6 =	sadd.s32 @!p0 s3, s7;
	s7 =	simm.s32 @!p0 $0x108  }
0x21: {  	s3 =	sadd.s32 s3, s9;
	s6 =	sadd.s32 @!p0 $0x88, s6;
	s7 =	simm.s32 @p2 $0x1082  }
0x22: {  	[simem:s7], [sflag:s8] =	dma.local @!p0 [hbm:s6], $0xF7A  }
0x23: {  	s9 =	sor.u32 $0xD0000000, s2;
	s6 =	simm.s32 $0x108;
	_ =	swait.ge @!p0 [sflag:s8], $0x0  }
0x24: {  	s3 =	sadd.s32 $0x88, s3;
	s6 =	simm.s32 @!p1 $0x1082;
	[sflag:s4] =	ssyncset.s32 $0xFFFFF086  }
0x25: {  	[simem:s6], [sflag:s4] =	dma.local [hbm:s3], $0xF7A  }
0x26: {  	[smem:$0x3F92] =	sst s1;
	(tag) =	ssettag s2;
	_ =	strace s9  }
0x27: {  	s1 =	sld [smem:$0x3FA2]  }
0x28: {  	s2 =	sld [smem:$0x3FA3]  }
0x29: {  	s4 =	sld [smem:$0x3FA5]  }
0x2a: {  	p0 =	seq.s32 s5, $0x0;
	s5 =	sld [smem:$0x3FA6]  }
0x2b: {  	s6 =	sld [smem:$0x3FA7]  }
0x2c: {  	s7 =	sld [smem:$0x3FA8]  }
0x2d: {  	s3 =	simm.s32 $0x108;
	s8 =	sld [smem:$0x3FA9]  }
0x2e: {  	s3 =	simm.s32 @!p0 $0x1082;
	s9 =	sld [smem:$0x3FAA]  }
0x2f: {  	lr =	sadd.s32 s0, s3;
	s0 =	sld [smem:$0x3FA1]  }
0x30: {  	s3 =	sld [smem:$0x3FA4]  }
0x31: {  	[smem:$0x3FAD] =	sst s10  }
0x32: {  	s10 =	sld [smem:$0x3FAB];
	_ =	sdelay $0x3  }
0x33: {  	p0 =	seq.s32 s10, $0x1;
	s10 =	sld [smem:$0x3FAD];
	_ =	sdelay $0x3  }
0x34: {  	[smem:$0x3FAD] =	sst s10  }
0x35: {  	s10 =	sld [smem:$0x3FAC];
	_ =	sdelay $0x3  }
0x36: {  	p1 =	seq.s32 s10, $0x1;
	s10 =	sld [smem:$0x3FAD];
	_ =	sdelay $0x3  }
0x37: {  	[smem:$0x3FAD] =	sst s10  }
0x38: {  	s10 =	sld [smem:$0x3FAE]  }
0x39: {  	_ = 	snop;
	(pc) =	sbr.ind lr, $3  }
0x3a: {  	_ = 	snop  }
0x3b: {  	_ = 	snop  }
0x3c: {  	p2 =	seq.s32 s10, $0x1;
	s10 =	sld [smem:$0x3FAD]  }
0x3d: {  	_ =	shalt  }
0x3e: {  	_ =	shalt  }
0x3f: {  	_ =	shalt  }
0x40: {  	_ =	shalt  }
0x41: {  	_ =	shalt  }
0x42: {  	_ =	shalt  }
0x43: {  	_ =	shalt  }
0x44: {  	_ =	shalt  }
0x45: {  	_ =	shalt  }
0x46: {  	_ =	shalt  }
0x47: {  	_ =	shalt  }
0x48: {  	_ =	shalt  }
0x49: {  	_ =	shalt  }
0x4a: {  	_ =	shalt  }
0x4b: {  	_ =	shalt  }
0x4c: {  	_ =	shalt  }
0x4d: {  	_ =	shalt  }
0x4e: {  	_ =	shalt  }
0x4f: {  	_ =	shalt  }
0x50: {  	_ =	shalt  }
0x51: {  	_ =	shalt  }
0x52: {  	_ =	shalt  }
0x53: {  	_ =	shalt  }
0x54: {  	_ =	shalt  }
0x55: {  	_ =	shalt  }
0x56: {  	_ =	shalt  }
0x57: {  	_ =	shalt  }
0x58: {  	_ =	shalt  }
0x59: {  	_ =	shalt  }
0x5a: {  	_ =	shalt  }
0x5b: {  	_ =	shalt  }
0x5c: {  	_ =	shalt  }
0x5d: {  	_ =	shalt  }
0x5e: {  	_ =	shalt  }
0x5f: {  	_ =	shalt  }
0x60: {  	_ =	shalt  }
0x61: {  	_ =	shalt  }
0x62: {  	_ =	shalt  }
0x63: {  	_ =	shalt  }
0x64: {  	_ =	shalt  }
0x65: {  	_ =	shalt  }
0x66: {  	_ =	shalt  }
0x67: {  	_ =	shalt  }
0x68: {  	_ =	shalt  }
0x69: {  	_ =	shalt  }
0x6a: {  	_ =	shalt  }
0x6b: {  	_ =	shalt  }
0x6c: {  	_ =	shalt  }
0x6d: {  	_ =	shalt  }
0x6e: {  	_ =	shalt  }
0x6f: {  	_ =	shalt  }
0x70: {  	_ =	shalt  }
0x71: {  	_ =	shalt  }
0x72: {  	_ =	shalt  }
0x73: {  	_ =	shalt  }
0x74: {  	_ =	shalt  }
0x75: {  	_ =	shalt  }
0x76: {  	_ =	shalt  }
0x77: {  	_ =	shalt  }
0x78: {  	_ =	shalt  }
0x79: {  	_ =	shalt  }
0x7a: {  	_ =	shalt  }
0x7b: {  	_ =	shalt  }
0x7c: {  	_ =	shalt  }
0x7d: {  	_ =	shalt  }
0x7e: {  	_ =	shalt  }
0x7f: {  	_ =	shalt  }
0x80: {  	_ =	shalt  }
0x81: {  	_ =	shalt  }
0x82: {  	_ =	shalt  }
0x83: {  	_ =	shalt  }
0x84: {  	_ =	shalt  }
0x85: {  	_ =	shalt  }
0x86: {  	_ =	shalt  }
0x87: {  	_ =	shalt  }
.Lfunc_end0:
.L_simem_size_0:
called_computation.1_lowered:
.L_overlay_start_0:
0x88: {  	s2 =	sld [smem:$0x3FD9]  }
0x89: {  	s3 =	sld [smem:$0x3FFE];
	_ =	sdelay $0x1  }
0x8a: {  	s1 =	srdreg.scid  }
0x8b: {  	s0 =	sand.u32 $0x1, s1  }
0x8c: {  	s16 =	sshll.u32 s0, $0xA;
	s2 =	sadd.s32 s3, s2  }
0x8d: {  	s2 =	sadd.s32 s2, s16  }
0x8e: {  	[smem:$0x3FB9] =	sst s2  }
0x8f: {  	_ = 	snop  }
0x90: {  	(tm) =	ssettm $0x1  }
0x91: {  	s17 =	sld [smem:$0x3FFB];
	_ =	sdelay $0x3  }
0x92: {  	_ =	strace s17  }
0x93: {  	s2 =	sld [smem:$0x3FFC];
	_ =	sdelay $0x3  }
0x94: {  	_ =	strace s2  }
0x95: {  	s2 =	sld [smem:$0x3FFD];
	_ =	sdelay $0x3  }
0x96: {  	_ =	strace s2  }
0x97: {  	_ =	strace $0x8FFFFFFF  }
0x98: {  	s18 =	sld [smem:$0x3FDB];
	_ =	sdelay $0x1  }
0x99: {  	s19 =	simm.s32 $_scs_section_size  }
0x9a: {  	s4 =	simm.s32 $_size__tile_overlayer_lowered;
	s5 =	simm.s32 $_tile_overlayer_lowered  }
0x9b: {  	s22 =	simm.s32 $0x1BFF;
	s21 =	sshll.u32 s5, $0x1;
	s2 =	sadd.s32 s19, s18  }
0x9c: {  	s6 =	simm.s32 $0x0;
	s20 =	sshll.u32 s4, $0x1;
	s4 =	sadd.s32 s21, s2  }
0x9d: {  	[timem:s6], [sflag:s22] =	dma.local [hbm:s4], s20  }
0x9e: {  	_ =	swait.ge [sflag:s22], s20  }
0x9f: {  	s3 =	ssub.s32 $0x0, s20;
	[sflag:s22] =	ssyncset.done $0x0  }
0xa0: {  	[sflag:s22] =	ssyncadd.s32 s3;
	_ =	sdelay $0x1  }
0xa1: {  	s23 =	simm.s32 $0x1B8B  }
0xa2: {  	_ =	swait.ge [sflag:s23], $0x1  }
0xa3: {  	[sflag:s23] =	ssyncset.done $0x0  }
0xa4: {  	s25 =	simm.s32 $0x1B8E;
	s24 =	sld [smem:$0x3FFE];
	[sflag:s23] =	ssyncadd.s32 $0xFFFFFFFF  }
0xa5: {  	s26 =	simm.s32 $execute0_lowered;
	[smem:$0x3FD2] =	sst s25  }
0xa6: {  	s4 =	sshll.u32 s26, $0x1;
	_ =	strace $0x80000049;
	[dreg:$0x1] =	wrdreg $0xFFFFFFFF  }
0xa7: {  	s28 =	simm.s32 $_size_execute0_lowered;
	s2 =	sadd.s32 s2, s4;
	[dreg:$0x0] =	wrdreg $0x0  }
0xa8: {  	s4 =	sshll.u32 s28, $0x1;
	[dreg:$0x2] =	wrdreg s2  }
0xa9: {  	[dreg:$0x3] =	wrdreg s4  }
0xaa: {  	[dreg:$0x4] =	wrdreg $0xC0  }
0xab: {  	_ =	task [dreg:s6], $0x5FFFF  }
0xac: {  	[dreg:$0x1] =	wrdreg $0xFFFFFFFF  }
0xad: {  	[dreg:$0x0] =	wrdreg $0x60  }
0xae: {  	[dreg:$0x2] =	wrdreg s24  }
0xaf: {  	[dreg:$0x3] =	wrdreg $0x28800  }
0xb0: {  	[dreg:$0x4] =	wrdreg $0x9  }
0xb1: {  	_ =	task.clear_ibuf [dreg:s6], $0x5FFFF;
	_ =	strace $0x90000049  }
0xb2: {  	s29 =	simm.s32 $0x9;
	_ =	strace $0x8000004B  }
0xb3: {  	_ =	swait.ge [sflag:s29], $0x1  }
0xb4: {  	[sflag:s29] =	ssyncadd.s32 $0xFFFFFFFF  }
0xb5: {  	_ =	strace $0x9000004B  }
0xb6: {  	_ =	sfence  }
0xb7: {  	s30 =	sld [smem:$0x0];
	_ =	sdelay $0x2  }
0xb8: {  	s31 =	sshll.u32 s1, $0xD;
	s1 =	sshrl.u32 s1, $0x2  }
0xb9: {  	s3 =	sand.u32 $0x4000, s31;
	s1 =	sadd.s32 s1, s30  }
0xba: {  	s0 =	sor.u32 s3, s0;
	s1 =	sshll.u32 s1, $0x11  }
0xbb: {  	s0 =	sor.u32 s1, s0  }
0xbc: {  	s0 =	sadd.s32 $0x8F2B, s0  }
0xbd: {  	[sflag:s0] =	ssyncadd.remote.s32 $0x1  }
0xbe: {  	_ =	sfence.sel $0xFFFF  }
0xbf: {  	[dreg:$0x0] =	wrdreg $0xFFFFFFFF;
	(pc) =	sbr.abs _section_cstart, $3  }
0xc0: {  	[dreg:$0x1] =	wrdreg $0xFFFFFFFF  }
0xc1: {  	_ =	task.clear_ibuf [dreg:s6], $0x2FFFF;
	_ =	strace $0x9FFFFFFF  }
0xc2: {  	(tm) =	ssettm $0x7FFFFFFF  }
0xc3: {  	_ =	shalt  }
tec
execute0_lowered:
.L_overlay_start_1:
0x0: {  	(tag) =	ssettag $0x1  }
0x1: {  	s0 =	stileid.u32;
	s1 =	srdreg.scid  }
0x2: {  	s4 =	rddreg [dreg:$0x0];
	s6 =	smul.u32 $0x4E20, s0  }
0x3: {  	s2 =	rddreg [dreg:$0x1];
	s8 =	smul.u32 $0x4E200, s0  }
0x4: {  	s3 =	simm.s32 $0x0;
	s14 =	simm.s32 $0x80;
	s24 =	smul.u32 $0x13C00, s0  }
0x5: {  	s15 =	simm.s32 $0x50;
	s5 =	sand.u32 $0x1, s1;
	s12 =	smul.u32 $0x4F000, s0  }
0x6: {  	s16 =	simm.s32 $0x0;
	s1 =	rddreg [dreg:$0x2];
	s7 =	smul.u32 $0x2710, s5  }
0x7: {  	[smem:$0x7FF] =	sst s3;
	s29 =	sshll.u32 s0, $0x6;
	s9 =	smul.u32 $0x13C000, s5  }
0x8: {  	_ =	strace $0x8000004A;
	s26 =	ssub.s32 $0x2, s5;
	s30 =	smul.u32 $0x27100, s5  }
0x9: {  	s5 =	sor.u32 $0x1C01, s29;
	s8 =	sadd.s32 s8, s4;
	s25 =	sshrl.u32 s24, $0x3  }
0xa: {  	s11 =	sshrl.u32 s26, $0x1;
	s28 =	sshrl.u32 s12, $0x2;
	s6 =	sadd.s32 s7, s6  }
0xb: {  	s7 =	sadd.s32 s24, s9;
	s9 =	ssub.s32 s26, s11;
	s13 =	sadd.s32 s28, s2  }
0xc: {  	s31 =	sadd.s32 s30, s8;
	s6 =	sshrl.u32 s6, $0x3;
	s7 =	sshrl.u32 s7, $0x3  }
0xd: {  	s8 =	smax.u32 s9, $0x1;
	s9 =	sadd.s32 $0xF03A00, s31;
	s11 =	sadd.s32 $0x13E5A00, s31  }
0xe: {  	s12 =	sshrl.u32 s13, $0x3;
	s10 =	sadd.s32 s6, s4;
	s6 =	sadd.s32 s25, s4  }
0xf: {  	s13 =	simm.s32 $0x1;
	s7 =	sadd.s32 s7, s4;
	s4 =	sadd.s32 $0x18E00, s6  }
0x10: {  	s6 =	sadd.s32 $0x40600, s7;
	s7 =	sadd.s32 $0x8F600, s7;
	s10 =	sadd.s32 $0xF000, s10  }
.LBB2_1:
0x11: {  	[spmem:s12], [sflag:s5] =	dma.local [hbm:s4], $0x2780  }
0x12: {  	_ =	swait.ge [sflag:s13], $0x2780  }
0x13: {  	[sflag:s13] =	ssyncset.done $0x0  }
0x14: {  	[sflag:s13] =	ssyncadd.s32 $0xFFFFD880  }
0x15: {  	s17 =	sadd.s32 $0x0, s10;
	[bflag:$0x0] =	sbarrier.arrive $0xFFFF  }
0x16: {  	[tilespmem:s3], [sflag:$0x1] =	stream.linear.gather [hbm4b:s17+s3], $0x50, $0x38;
	[tilespmem:$0x16480] =	vst v63  }
0x17: {  	_ =	swait.ge [sflag:s13], $0x50  }
0x18: {  	[sflag:s13] =	ssyncset.done $0x0  }
0x19: {  	[sflag:s13] =	ssyncadd.s32 $0xFFFFFFB0  }
0x1a: {  	[tilespmem:s14], [sflag:$0x1] =	stream.linear.gather [hbm4b:s9+s3], $0x2800, $0x38;
	[tilespmem:$0x16480] =	vst v63  }
0x1b: {  	_ =	swait.ge [sflag:s13], $0x2800  }
0x1c: {  	[sflag:s13] =	ssyncset.done $0x0  }
0x1d: {  	[sflag:s13] =	ssyncadd.s32 $0xFFFFD800  }
0x1e: {  	[spmem:s2] =	stream.indirect.scatter.add.f32 [tilespmem:s14], [sflag:$0x1], $0x80, s3, s15, $0xb8;
	[tilespmem:$0x16480] =	vst v63  }
0x1f: {  	s18 =	simm.s32 $0xA;
	_ =	swait.ge [sflag:s13], $0x2800  }
0x20: {  	s19 =	simm.s32 $0x14;
	s17 =	sadd.s32 $0x500, s9;
	[sflag:s13] =	ssyncset.done $0x0  }
.LBB2_2:
0x21: {  	s20 =	sadd.s32 s18, s10  }
0x22: {  	[sflag:s13] =	ssyncadd.s32 $0xFFFFD800;
	s18 =	smov.u32 s19;
	s21 =	sadd.s32 $0xA, s19  }
0x23: {  	[tilespmem:s3], [sflag:$0x1] =	stream.linear.gather [hbm4b:s20+s3], $0x50, $0x38;
	[tilespmem:$0x16480] =	vst v63  }
0x24: {  	p0 =	sne.s32 s19, $0x4D8;
	_ =	swait.ge [sflag:s13], $0x50  }
0x25: {  	[sflag:s13] =	ssyncset.done $0x0  }
0x26: {  	[sflag:s13] =	ssyncadd.s32 $0xFFFFFFB0  }
0x27: {  	[tilespmem:s14], [sflag:$0x1] =	stream.linear.gather [hbm4b:s17+s3], $0x2800, $0x38;
	[tilespmem:$0x16480] =	vst v63  }
0x28: {  	_ =	swait.ge [sflag:s13], $0x2800  }
.Ltmp0:
0x29: {  	[sflag:s13] =	ssyncset.done $0x0;
	(pc) =	sbr.rel @p0 .LBB2_2-.Ltmp0, $4  }
0x2a: {  	[sflag:s13] =	ssyncadd.s32 $0xFFFFD800  }
0x2b: {  	[spmem:s2] =	stream.indirect.scatter.add.f32 [tilespmem:s14], [sflag:$0x1], $0x80, s3, s15, $0xb8;
	[tilespmem:$0x16480] =	vst v63  }
0x2c: {  	_ =	swait.ge [sflag:s13], $0x2800  }
0x2d: {  	s19 =	smov.u32 s21;
	s17 =	sadd.s32 $0x500, s17;
	[sflag:s13] =	ssyncset.done $0x0  }
0x2e: {  	s18 =	sadd.s32 s18, s10;
	[sflag:s13] =	ssyncadd.s32 $0xFFFFD800  }
0x2f: {  	[tilespmem:s3], [sflag:$0x1] =	stream.linear.gather [hbm4b:s18+s3], $0x50, $0x38;
	[tilespmem:$0x16480] =	vst v63  }
0x30: {  	_ =	swait.ge [sflag:s13], $0x50  }
0x31: {  	[sflag:s13] =	ssyncset.done $0x0  }
0x32: {  	[sflag:s13] =	ssyncadd.s32 $0xFFFFFFB0  }
0x33: {  	[tilespmem:s14], [sflag:$0x1] =	stream.linear.gather [hbm4b:s17+s3], $0x2800, $0x38;
	[tilespmem:$0x16480] =	vst v63  }
0x34: {  	_ =	swait.ge [sflag:s13], $0x2800  }
0x35: {  	[sflag:s13] =	ssyncset.done $0x0  }
0x36: {  	[sflag:s13] =	ssyncadd.s32 $0xFFFFD800  }
0x37: {  	[spmem:s2] =	stream.indirect.scatter.add.f32 [tilespmem:s14], [sflag:$0x1], $0x80, s3, s15, $0xb8;
	[tilespmem:$0x16480] =	vst v63  }
0x38: {  	_ =	swait.ge [sflag:s13], $0x2800  }
0x39: {  	[sflag:s13] =	ssyncset.done $0x0  }
0x3a: {  	[sflag:s13] =	ssyncadd.s32 $0xFFFFD800  }
0x3b: {  	[bflag:$0x0] =	sbarrier.arrive $0xFFFF  }
0x3c: {  	[hbm:s6], [sflag:s5] =	dma.local [spmem:s12], $0x2780  }
0x3d: {  	_ =	swait.ge [sflag:s13], $0x2780  }
0x3e: {  	[sflag:s13] =	ssyncset.done $0x0  }
0x3f: {  	[sflag:s13] =	ssyncadd.s32 $0xFFFFD880  }
0x40: {  	[spmem:s12], [sflag:s5] =	dma.local [hbm:s4], $0x2780  }
0x41: {  	_ =	swait.ge [sflag:s13], $0x2780  }
0x42: {  	[sflag:s13] =	ssyncset.done $0x0  }
0x43: {  	[sflag:s13] =	ssyncadd.s32 $0xFFFFD880  }
0x44: {  	s31 =	sadd.s32 $0x0, s10;
	[bflag:$0x0] =	sbarrier.arrive $0xFFFF  }
0x45: {  	[tilespmem:s3], [sflag:$0x1] =	stream.linear.gather [hbm4b:s31+s3], $0x50, $0x38;
	[tilespmem:$0x16480] =	vst v63  }
0x46: {  	_ =	swait.ge [sflag:s13], $0x50  }
0x47: {  	[sflag:s13] =	ssyncset.done $0x0  }
0x48: {  	[sflag:s13] =	ssyncadd.s32 $0xFFFFFFB0  }
0x49: {  	[tilespmem:s14], [sflag:$0x1] =	stream.linear.gather [hbm4b:s11+s3], $0x2800, $0x38;
	[tilespmem:$0x16480] =	vst v63  }
0x4a: {  	_ =	swait.ge [sflag:s13], $0x2800  }
0x4b: {  	[sflag:s13] =	ssyncset.done $0x0  }
0x4c: {  	[sflag:s13] =	ssyncadd.s32 $0xFFFFD800  }
0x4d: {  	[spmem:s2] =	stream.indirect.scatter.add.f32 [tilespmem:s14], [sflag:$0x1], $0x80, s3, s15, $0xb8;
	[tilespmem:$0x16480] =	vst v63  }
0x4e: {  	s19 =	simm.s32 $0x14;
	_ =	swait.ge [sflag:s13], $0x2800  }
0x4f: {  	s18 =	simm.s32 $0xA;
	s17 =	sadd.s32 $0x500, s11;
	[sflag:s13] =	ssyncset.done $0x0  }
.LBB2_4:
0x50: {  	s20 =	sadd.s32 s18, s10  }
0x51: {  	[sflag:s13] =	ssyncadd.s32 $0xFFFFD800;
	s18 =	smov.u32 s19;
	s21 =	sadd.s32 $0xA, s19  }
0x52: {  	[tilespmem:s3], [sflag:$0x1] =	stream.linear.gather [hbm4b:s20+s3], $0x50, $0x38;
	[tilespmem:$0x16480] =	vst v63  }
0x53: {  	p0 =	sne.s32 s19, $0x4D8;
	_ =	swait.ge [sflag:s13], $0x50  }
0x54: {  	[sflag:s13] =	ssyncset.done $0x0  }
0x55: {  	[sflag:s13] =	ssyncadd.s32 $0xFFFFFFB0  }
0x56: {  	[tilespmem:s14], [sflag:$0x1] =	stream.linear.gather [hbm4b:s17+s3], $0x2800, $0x38;
	[tilespmem:$0x16480] =	vst v63  }
0x57: {  	_ =	swait.ge [sflag:s13], $0x2800  }
.Ltmp1:
0x58: {  	[sflag:s13] =	ssyncset.done $0x0;
	(pc) =	sbr.rel @p0 .LBB2_4-.Ltmp1, $4  }
0x59: {  	[sflag:s13] =	ssyncadd.s32 $0xFFFFD800  }
0x5a: {  	[spmem:s2] =	stream.indirect.scatter.add.f32 [tilespmem:s14], [sflag:$0x1], $0x80, s3, s15, $0xb8;
	[tilespmem:$0x16480] =	vst v63  }
0x5b: {  	_ =	swait.ge [sflag:s13], $0x2800  }
0x5c: {  	s19 =	smov.u32 s21;
	s17 =	sadd.s32 $0x500, s17;
	[sflag:s13] =	ssyncset.done $0x0  }
0x5d: {  	s18 =	sadd.s32 s18, s10;
	[sflag:s13] =	ssyncadd.s32 $0xFFFFD800  }
0x5e: {  	[tilespmem:s3], [sflag:$0x1] =	stream.linear.gather [hbm4b:s18+s3], $0x50, $0x38;
	[tilespmem:$0x16480] =	vst v63  }
0x5f: {  	_ =	swait.ge [sflag:s13], $0x50  }
0x60: {  	[sflag:s13] =	ssyncset.done $0x0  }
0x61: {  	[sflag:s13] =	ssyncadd.s32 $0xFFFFFFB0  }
0x62: {  	[tilespmem:s14], [sflag:$0x1] =	stream.linear.gather [hbm4b:s17+s3], $0x2800, $0x38;
	[tilespmem:$0x16480] =	vst v63  }
0x63: {  	_ =	swait.ge [sflag:s13], $0x2800  }
0x64: {  	[sflag:s13] =	ssyncset.done $0x0  }
0x65: {  	[sflag:s13] =	ssyncadd.s32 $0xFFFFD800  }
0x66: {  	[spmem:s2] =	stream.indirect.scatter.add.f32 [tilespmem:s14], [sflag:$0x1], $0x80, s3, s15, $0xb8;
	[tilespmem:$0x16480] =	vst v63  }
0x67: {  	_ =	swait.ge [sflag:s13], $0x2800  }
0x68: {  	s16 =	sadd.s32 $0x1, s16;
	[sflag:s13] =	ssyncset.done $0x0  }
0x69: {  	p0 =	sne.s32 s16, s8;
	[sflag:s13] =	ssyncadd.s32 $0xFFFFD800  }
.Ltmp2:
0x6a: {  	[bflag:$0x0] =	sbarrier.arrive $0xFFFF;
	(pc) =	sbr.rel @p0 .LBB2_1-.Ltmp2, $4  }
0x6b: {  	[hbm:s7], [sflag:s5] =	dma.local [spmem:s12], $0x2780  }
0x6c: {  	_ =	swait.ge [sflag:s13], $0x2780  }
0x6d: {  	[sflag:s13] =	ssyncset.done $0x0  }
0x6e: {  	[sflag:s13] =	ssyncadd.s32 $0xFFFFD880  }
0x6f: {  	_ =	sfence.sel $0x180000  }
0x70: {  	[bflag:$0x0] =	sbarrier.arrive $0xFFFF  }
0x71: {  	p0 =	sne.s32 s0, $0x0;
	_ =	strace $0x9000004A  }
0x72: {  	s0 =	sadd.s32 @!p0 $0x100000, s1;
	[bflag:$0x2] =	sbarrier.arrive $0xFFFF  }
0x73: {  	[sflag:s0] =	ssyncadd.tile.s32 @!p0 $0x1;
	_ =	shalt  }
.Lfunc_end2:
_tile_overlayer_lowered:
.L_overlay_start_2:
0x74: {  	(tag) =	ssettag $0x2  }
0x75: {  	s0 =	rddreg [dreg:$0x0];
	s2 =	stileid.u32  }
0x76: {  	s1 =	rddreg [dreg:$0x1];
	p0 =	sne.s32 s2, $0x0  }
0x77: {  	s3 =	rddreg [dreg:$0x2];
	[bflag:$0x3] =	sbarrier.arrive $0xFFFF;
	s2 =	simm.s32 @!p0 $0x1C01  }
0x78: {  	[timem:s3], [sflag:s2] =	dma.local @!p0 [hbm:s0], s1  }
0x79: {  	s0 =	simm.s32 @!p0 $0x1  }
0x7a: {  	_ =	swait.ge @!p0 [sflag:s0], s1  }
0x7b: {  	s1 =	ssub.s32 @!p0 $0x0, s1;
	[sflag:s0] =	ssyncset.done @!p0 $0x0  }
0x7c: {  	[sflag:s0] =	ssyncadd.s32 @!p0 s1  }
0x7d: {  	[bflag:$0x3] =	sbarrier.arrive $0xFFFF  }
0x7e: {  	_ =	shalt  }

// kernel: kernel.7.cloned.1.call-start
scs
__scs_entry_jumppad:
0x0: {  	(pc) =	sbr.rel $0x88, $3  }
0x1: {  	(tag) =	ssettag $0x0;
	lr =	simm.s32 $0x1  }
0x2: {  	[smem:$0x3F92] =	sst lr;
	_ =	strace $0xD0000000  }
0x3: {  	_ = 	snop  }
0x4: {  	_ = 	snop  }
0x5: {  	_ = 	snop  }
0x6: {  	_ = 	snop  }
0x7: {  	_ = 	snop  }
__scs_overlays_trampoline_lowered:
0x8: {  	[smem:$0x3FA1] =	sst s0  }
0x9: {  	[smem:$0x3FA2] =	sst s1  }
0xa: {  	[smem:$0x3FA3] =	sst s2  }
0xb: {  	[smem:$0x3FA4] =	sst s3  }
0xc: {  	[smem:$0x3FA5] =	sst s4  }
0xd: {  	[smem:$0x3FA6] =	sst s5  }
0xe: {  	[smem:$0x3FA7] =	sst s6  }
0xf: {  	[smem:$0x3FA8] =	sst s7  }
0x10: {  	[smem:$0x3FA9] =	sst s8  }
0x11: {  	[smem:$0x3FAA] =	sst s9;
	s0 =	simm.s32 @!p0 $0x0  }
0x12: {  	s1 =	sld [smem:$0x3F90];
	s0 =	simm.s32 @p0 $0x1  }
0x13: {  	[smem:$0x3FAB] =	sst s0;
	s0 =	simm.s32 @!p1 $0x0  }
0x14: {  	s2 =	sld [smem:$0x3F8F];
	s0 =	simm.s32 @p1 $0x1  }
0x15: {  	[smem:$0x3FAC] =	sst s0;
	s0 =	simm.s32 @!p2 $0x0  }
0x16: {  	s3 =	sld [smem:$0x3FDB];
	s0 =	simm.s32 @p2 $0x1  }
0x17: {  	s4 =	simm.s32 $0x1BF5;
	[smem:$0x3FAE] =	sst s0  }
0x18: {  	s0 =	sld [smem:$0x3F91];
	_ =	swait.ge [sflag:s4], $0x0  }
0x19: {  	s7 =	sld [smem:$0x3F92]  }
0x1a: {  	s8 =	sadd.s32 $0xFFFFE003, lr  }
0x1b: {  	s9 =	sadd.s32 $0xFFFFFEF7, lr;
	s5 =	simm.s32 $0xFFFFFFFF;
	p2 =	slt.u32 s8, $0xFFFFF086  }
0x1c: {  	p1 =	slt.u32 s9, $0xF7A;
	s5 =	simm.s32 @!p2 $0x0  }
0x1d: {  	s5 =	simm.s32 @p1 $0x1;
	p0 =	seq.s32 s7, s2  }
0x1e: {  	s7 =	smul.u32 @!p0 $0xF7A, s2;
	p2 =	seq.s32 @!p0 s5, $0x0  }
0x1f: {  	s9 =	smul.u32 $0xF7A, s1;
	s8 =	simm.s32 @!p0 $0x1BF5;
	p2 =	por !p2, p0  }
0x20: {  	[sflag:s8] =	ssyncset.s32 @!p0 $0xFFFFF086;
	s6 =	sadd.s32 @!p0 s3, s7;
	s7 =	simm.s32 @!p0 $0x108  }
0x21: {  	s3 =	sadd.s32 s3, s9;
	s6 =	sadd.s32 @!p0 $0x88, s6;
	s7 =	simm.s32 @p2 $0x1082  }
0x22: {  	[simem:s7], [sflag:s8] =	dma.local @!p0 [hbm:s6], $0xF7A  }
0x23: {  	s9 =	sor.u32 $0xD0000000, s2;
	s6 =	simm.s32 $0x108;
	_ =	swait.ge @!p0 [sflag:s8], $0x0  }
0x24: {  	s3 =	sadd.s32 $0x88, s3;
	s6 =	simm.s32 @!p1 $0x1082;
	[sflag:s4] =	ssyncset.s32 $0xFFFFF086  }
0x25: {  	[simem:s6], [sflag:s4] =	dma.local [hbm:s3], $0xF7A  }
0x26: {  	[smem:$0x3F92] =	sst s1;
	(tag) =	ssettag s2;
	_ =	strace s9  }
0x27: {  	s1 =	sld [smem:$0x3FA2]  }
0x28: {  	s2 =	sld [smem:$0x3FA3]  }
0x29: {  	s4 =	sld [smem:$0x3FA5]  }
0x2a: {  	p0 =	seq.s32 s5, $0x0;
	s5 =	sld [smem:$0x3FA6]  }
0x2b: {  	s6 =	sld [smem:$0x3FA7]  }
0x2c: {  	s7 =	sld [smem:$0x3FA8]  }
0x2d: {  	s3 =	simm.s32 $0x108;
	s8 =	sld [smem:$0x3FA9]  }
0x2e: {  	s3 =	simm.s32 @!p0 $0x1082;
	s9 =	sld [smem:$0x3FAA]  }
0x2f: {  	lr =	sadd.s32 s0, s3;
	s0 =	sld [smem:$0x3FA1]  }
0x30: {  	s3 =	sld [smem:$0x3FA4]  }
0x31: {  	[smem:$0x3FAD] =	sst s10  }
0x32: {  	s10 =	sld [smem:$0x3FAB];
	_ =	sdelay $0x3  }
0x33: {  	p0 =	seq.s32 s10, $0x1;
	s10 =	sld [smem:$0x3FAD];
	_ =	sdelay $0x3  }
0x34: {  	[smem:$0x3FAD] =	sst s10  }
0x35: {  	s10 =	sld [smem:$0x3FAC];
	_ =	sdelay $0x3  }
0x36: {  	p1 =	seq.s32 s10, $0x1;
	s10 =	sld [smem:$0x3FAD];
	_ =	sdelay $0x3  }
0x37: {  	[smem:$0x3FAD] =	sst s10  }
0x38: {  	s10 =	sld [smem:$0x3FAE]  }
0x39: {  	_ = 	snop;
	(pc) =	sbr.ind lr, $3  }
0x3a: {  	_ = 	snop  }
0x3b: {  	_ = 	snop  }
0x3c: {  	p2 =	seq.s32 s10, $0x1;
	s10 =	sld [smem:$0x3FAD]  }
0x3d: {  	_ =	shalt  }
0x3e: {  	_ =	shalt  }
0x3f: {  	_ =	shalt  }
0x40: {  	_ =	shalt  }
0x41: {  	_ =	shalt  }
0x42: {  	_ =	shalt  }
0x43: {  	_ =	shalt  }
0x44: {  	_ =	shalt  }
0x45: {  	_ =	shalt  }
0x46: {  	_ =	shalt  }
0x47: {  	_ =	shalt  }
0x48: {  	_ =	shalt  }
0x49: {  	_ =	shalt  }
0x4a: {  	_ =	shalt  }
0x4b: {  	_ =	shalt  }
0x4c: {  	_ =	shalt  }
0x4d: {  	_ =	shalt  }
0x4e: {  	_ =	shalt  }
0x4f: {  	_ =	shalt  }
0x50: {  	_ =	shalt  }
0x51: {  	_ =	shalt  }
0x52: {  	_ =	shalt  }
0x53: {  	_ =	shalt  }
0x54: {  	_ =	shalt  }
0x55: {  	_ =	shalt  }
0x56: {  	_ =	shalt  }
0x57: {  	_ =	shalt  }
0x58: {  	_ =	shalt  }
0x59: {  	_ =	shalt  }
0x5a: {  	_ =	shalt  }
0x5b: {  	_ =	shalt  }
0x5c: {  	_ =	shalt  }
0x5d: {  	_ =	shalt  }
0x5e: {  	_ =	shalt  }
0x5f: {  	_ =	shalt  }
0x60: {  	_ =	shalt  }
0x61: {  	_ =	shalt  }
0x62: {  	_ =	shalt  }
0x63: {  	_ =	shalt  }
0x64: {  	_ =	shalt  }
0x65: {  	_ =	shalt  }
0x66: {  	_ =	shalt  }
0x67: {  	_ =	shalt  }
0x68: {  	_ =	shalt  }
0x69: {  	_ =	shalt  }
0x6a: {  	_ =	shalt  }
0x6b: {  	_ =	shalt  }
0x6c: {  	_ =	shalt  }
0x6d: {  	_ =	shalt  }
0x6e: {  	_ =	shalt  }
0x6f: {  	_ =	shalt  }
0x70: {  	_ =	shalt  }
0x71: {  	_ =	shalt  }
0x72: {  	_ =	shalt  }
0x73: {  	_ =	shalt  }
0x74: {  	_ =	shalt  }
0x75: {  	_ =	shalt  }
0x76: {  	_ =	shalt  }
0x77: {  	_ =	shalt  }
0x78: {  	_ =	shalt  }
0x79: {  	_ =	shalt  }
0x7a: {  	_ =	shalt  }
0x7b: {  	_ =	shalt  }
0x7c: {  	_ =	shalt  }
0x7d: {  	_ =	shalt  }
0x7e: {  	_ =	shalt  }
0x7f: {  	_ =	shalt  }
0x80: {  	_ =	shalt  }
0x81: {  	_ =	shalt  }
0x82: {  	_ =	shalt  }
0x83: {  	_ =	shalt  }
0x84: {  	_ =	shalt  }
0x85: {  	_ =	shalt  }
0x86: {  	_ =	shalt  }
0x87: {  	_ =	shalt  }
.Lfunc_end0:
.L_simem_size_0:
called_computation_lowered:
.L_overlay_start_0:
0x88: {  	s2 =	sld [smem:$0x3FD9]  }
0x89: {  	s3 =	sld [smem:$0x3FFE];
	_ =	sdelay $0x1  }
0x8a: {  	s1 =	srdreg.scid  }
0x8b: {  	s0 =	sand.u32 $0x1, s1  }
0x8c: {  	s14 =	sshll.u32 s0, $0xA;
	s2 =	sadd.s32 s3, s2  }
0x8d: {  	s2 =	sadd.s32 s2, s14  }
0x8e: {  	[smem:$0x3FB9] =	sst s2  }
0x8f: {  	_ = 	snop  }
0x90: {  	s2 =	sld [smem:$0x3FD0];
	_ =	sdelay $0x2  }
0x91: {  	s15 =	simm.s32 $0xA;
	s4 =	simm.s32 $0x10  }
0x92: {  	[smem:s4], [sflag:s15] =	dma.local [hbm:s2], $0x1  }
0x93: {  	_ =	swait.eq [sflag:s15], $0x1  }
0x94: {  	[sflag:s15] =	ssyncset.done $0x0  }
0x95: {  	s16 =	sld [smem:$0x10];
	[sflag:s15] =	ssyncadd.s32 $0xFFFFFFFF  }
0x96: {  	s17 =	sld [smem:$0x11];
	(tm) =	ssettm $0x1  }
0x97: {  	s18 =	sld [smem:$0x3FFB];
	_ =	sdelay $0x3  }
0x98: {  	_ =	strace s18  }
0x99: {  	s4 =	sld [smem:$0x3FFC];
	_ =	sdelay $0x3  }
0x9a: {  	_ =	strace s4  }
0x9b: {  	s4 =	sld [smem:$0x3FFD];
	_ =	sdelay $0x3  }
0x9c: {  	_ =	strace s4  }
0x9d: {  	_ =	strace $0x8FFFFFFF  }
0x9e: {  	s19 =	sld [smem:$0x3FDB];
	_ =	sdelay $0x1  }
0x9f: {  	s5 =	simm.s32 $_scs_section_size  }
0xa0: {  	s6 =	simm.s32 $_size__tile_overlayer_lowered;
	s7 =	simm.s32 $_tile_overlayer_lowered  }
0xa1: {  	s22 =	simm.s32 $0x1BFF;
	s21 =	sshll.u32 s7, $0x1;
	s4 =	sadd.s32 s5, s19  }
0xa2: {  	s8 =	simm.s32 $0x0;
	s20 =	sshll.u32 s6, $0x1;
	s6 =	sadd.s32 s21, s4  }
0xa3: {  	[timem:s8], [sflag:s22] =	dma.local [hbm:s6], s20  }
0xa4: {  	_ =	swait.ge [sflag:s22], s20  }
0xa5: {  	s5 =	ssub.s32 $0x0, s20;
	[sflag:s22] =	ssyncset.done $0x0  }
0xa6: {  	[sflag:s22] =	ssyncadd.s32 s5;
	_ =	sdelay $0x1  }
0xa7: {  	s23 =	simm.s32 $0x1B8B  }
0xa8: {  	_ =	swait.ge [sflag:s23], $0x1  }
0xa9: {  	[sflag:s23] =	ssyncset.done $0x0  }
0xaa: {  	s25 =	simm.s32 $0x1B8E;
	s24 =	sld [smem:$0x3FFE];
	[sflag:s23] =	ssyncadd.s32 $0xFFFFFFFF  }
0xab: {  	s26 =	simm.s32 $execute0_lowered;
	[smem:$0x3FD2] =	sst s25  }
0xac: {  	s6 =	sshll.u32 s26, $0x1;
	_ =	strace $0x80000046;
	[dreg:$0x1] =	wrdreg $0xFFFFFFFF  }
0xad: {  	s28 =	simm.s32 $_size_execute0_lowered;
	s4 =	sadd.s32 s4, s6;
	[dreg:$0x0] =	wrdreg $0x0  }
0xae: {  	s6 =	sshll.u32 s28, $0x1;
	[dreg:$0x2] =	wrdreg s4  }
0xaf: {  	[dreg:$0x3] =	wrdreg s6  }
0xb0: {  	[dreg:$0x4] =	wrdreg $0xC0  }
0xb1: {  	_ =	task [dreg:s8], $0x5FFFF  }
0xb2: {  	[dreg:$0x1] =	wrdreg $0xFFFFFFFF  }
0xb3: {  	[dreg:$0x0] =	wrdreg $0x60  }
0xb4: {  	[dreg:$0x2] =	wrdreg s16  }
0xb5: {  	[dreg:$0x3] =	wrdreg s24  }
0xb6: {  	[dreg:$0x4] =	wrdreg s17  }
0xb7: {  	[dreg:$0x5] =	wrdreg $0x9  }
0xb8: {  	_ =	task.clear_ibuf [dreg:s8], $0x6FFFF;
	_ =	strace $0x90000046  }
0xb9: {  	s29 =	simm.s32 $0x9;
	_ =	strace $0x80000048  }
0xba: {  	_ =	swait.ge [sflag:s29], $0x1  }
0xbb: {  	[sflag:s29] =	ssyncadd.s32 $0xFFFFFFFF  }
0xbc: {  	_ =	strace $0x90000048  }
0xbd: {  	_ =	sfence  }
0xbe: {  	s30 =	sld [smem:$0x0];
	_ =	sdelay $0x2  }
0xbf: {  	s31 =	sshll.u32 s1, $0xD;
	s1 =	sshrl.u32 s1, $0x2  }
0xc0: {  	s3 =	sand.u32 $0x4000, s31;
	s1 =	sadd.s32 s1, s30  }
0xc1: {  	s0 =	sor.u32 s3, s0;
	s1 =	sshll.u32 s1, $0x11  }
0xc2: {  	s0 =	sor.u32 s1, s0  }
0xc3: {  	s0 =	sadd.s32 $0x8F2B, s0  }
0xc4: {  	[sflag:s0] =	ssyncadd.remote.s32 $0x1  }
0xc5: {  	_ =	sfence.sel $0xFFFF  }
0xc6: {  	[dreg:$0x0] =	wrdreg $0xFFFFFFFF;
	(pc) =	sbr.abs _section_cstart, $3  }
0xc7: {  	[dreg:$0x1] =	wrdreg $0xFFFFFFFF  }
0xc8: {  	_ =	task.clear_ibuf [dreg:s8], $0x2FFFF;
	_ =	strace $0x9FFFFFFF  }
0xc9: {  	(tm) =	ssettm $0x7FFFFFFF  }
tec
execute0_lowered:
.L_overlay_start_1:
0x0: {  	(tag) =	ssettag $0x1  }
0x1: {  	s1 =	rddreg [dreg:$0x0]  }
0x2: {  	s0 =	rddreg [dreg:$0x1]  }
0x3: {  	s2 =	srdreg.scid;
	s5 =	stileid.u32;
	s4 =	simm.s32 $0x0  }
0x4: {  	s14 =	simm.s32 $0x5100;
	s15 =	simm.s32 $0x3;
	s16 =	simm.s32 $0x80  }
0x5: {  	s17 =	simm.s32 $0x50;
	s18 =	simm.s32 $0x100;
	s19 =	simm.s32 $0x2900  }
0x6: {  	s20 =	simm.s32 $0x1;
	s21 =	simm.s32 $0x2;
	s22 =	simm.s32 $0xC900  }
0x7: {  	s23 =	simm.s32 $0xC980;
	s24 =	simm.s32 $0xCA00;
	s3 =	smul.u32 $0x4E20, s5  }
0x8: {  	s25 =	simm.s32 $0x0;
	s2 =	sand.u32 $0x1, s2;
	s7 =	smul.u32 $0x4E200, s5  }
0x9: {  	[smem:$0x7FF] =	sst s4;
	s5 =	sadd.s32 $0x18E00, s0;
	s6 =	smul.u32 $0x2710, s2  }
0xa: {  	_ =	strace $0x80000047;
	s8 =	ssub.s32 $0x2, s2;
	s2 =	smul.u32 $0x27100, s2  }
0xb: {  	s30 =	sadd.s32 s7, s0;
	s31 =	sshrl.u32 s8, $0x1;
	s3 =	sadd.s32 s6, s3  }
0xc: {  	s7 =	ssub.s32 s8, s31;
	s2 =	sadd.s32 s2, s30;
	s3 =	sshrl.u32 s3, $0x3  }
0xd: {  	s6 =	smax.u32 s7, $0x1;
	s7 =	sadd.s32 $0x5DA00, s2;
	s0 =	sadd.s32 s3, s0  }
0xe: {  	s8 =	sadd.s32 $0x53FA00, s2;
	s9 =	sadd.s32 $0x53C00, s0;
	s10 =	sadd.s32 $0x49E00, s0  }
0xf: {  	s11 =	sadd.s32 $0x40000, s0;
	s12 =	sadd.s32 $0x5200, s0;
	s13 =	sadd.s32 $0xF000, s0  }
.LBB2_1:
0x10: {  	s0 =	rddreg [dreg:$0x2]  }
0x11: {  	[tilespmem:s14], [sflag:$0x3] =	stream.linear.gather [hbm4b:s0+s4], $0x7800, $0x38;
	[tilespmem:$0xCA80] =	vst v63  }
0x12: {  	_ =	swait.ge [sflag:s15], $0x7800  }
0x13: {  	[sflag:s15] =	ssyncset.done $0x0  }
0x14: {  	s26 =	sadd.s32 $0x0, s13;
	[sflag:s15] =	ssyncadd.s32 $0xFFFF8800  }
0x15: {  	[tilespmem:s4], [sflag:$0x3] =	stream.linear.gather [hbm4b:s26+s4], $0x50, $0x38;
	[tilespmem:$0xCA80] =	vst v63  }
0x16: {  	_ =	swait.ge [sflag:s15], $0x50  }
0x17: {  	[sflag:s15] =	ssyncset.done $0x0  }
0x18: {  	s31 =	sadd.s32 $0x0, s12;
	[sflag:s15] =	ssyncadd.s32 $0xFFFFFFB0  }
0x19: {  	[tilespmem:s16], [sflag:$0x3] =	stream.linear.gather [hbm4b:s31+s4], $0x50, $0x38;
	[tilespmem:$0xCA80] =	vst v63  }
0x1a: {  	_ =	swait.ge [sflag:s15], $0x50  }
0x1b: {  	[sflag:s15] =	ssyncset.done $0x0  }
0x1c: {  	[sflag:s15] =	ssyncadd.s32 $0xFFFFFFB0  }
0x1d: {  	[tilespmem:s18], [sflag:$0x1] =	stream.indirect.gather [hbm4b:s1+s17], $0x80, s4, s17, $0xb8;
	[tilespmem:$0xCA80] =	vst v63  }
0x1e: {  	_ = 	snop  }
0x1f: {  	[tilespmem:s19], [sflag:$0x2] =	stream.indirect.gather [hbm4b:s5+s17], $0x80, s16, s17, $0xb8;
	[tilespmem:$0xCA80] =	vst v63  }
0x20: {  	v0 =	vld [tilespmem:$0x0]  }
0x21: {  	v1 =	vld [tilespmem:$0x80];
	_ =	sdelay $0x6  }
0x22: {  	v2 =	vld.idx.msk [tilespmem:v0+s14+$0x0], $0xffff  }
0x23: {  	v3 =	vld.idx.msk [tilespmem:v1+s14+$0x0], $0xffff;
	_ =	sdelay $0x2  }
0x24: {  	v4 =	vadd.s32 $0x2800, v0  }
0x25: {  	v5 =	vadd.s32 $0x2800, v1  }
0x26: {  	v2 =	vsub.f32 v2, v3;
	_ =	sdelay $0x1  }
0x27: {  	[tilespmem:$0xC900] =	vst v2  }
0x28: {  	v2 =	vld.idx.msk [tilespmem:v4+s14+$0x0], $0xffff  }
0x29: {  	v36 =	vld.idx.msk [tilespmem:v5+s14+$0x0], $0xffff;
	_ =	sdelay $0x2  }
0x2a: {  	v0 =	vadd.s32 $0x5000, v0  }
0x2b: {  	v1 =	vadd.s32 $0x5000, v1  }
0x2c: {  	v2 =	vsub.f32 v2, v36;
	_ =	sdelay $0x1  }
0x2d: {  	v37 =	vld [tilespmem:$0x10];
	[tilespmem:$0xC980] =	vst v2  }
0x2e: {  	v0 =	vld.idx.msk [tilespmem:v0+s14+$0x0], $0xffff  }
0x2f: {  	v1 =	vld.idx.msk [tilespmem:v1+s14+$0x0], $0xffff  }
0x30: {  	v38 =	vld [tilespmem:$0x90];
	_ =	sdelay $0x3  }
0x31: {  	v0 =	vsub.f32 v0, v1;
	_ =	sdelay $0x1  }
0x32: {  	[tilespmem:$0xCA00] =	vst v0  }
0x33: {  	v0 =	vld.idx.msk [tilespmem:v37+s14+$0x0], $0xffff  }
0x34: {  	v39 =	vld.idx.msk [tilespmem:v38+s14+$0x0], $0xffff;
	_ =	sdelay $0x2  }
0x35: {  	v40 =	vadd.s32 $0x2800, v37  }
0x36: {  	v41 =	vadd.s32 $0x2800, v38  }
0x37: {  	v0 =	vsub.f32 v0, v39;
	_ =	sdelay $0x1  }
0x38: {  	[tilespmem:$0xC910] =	vst v0  }
0x39: {  	v0 =	vld.idx.msk [tilespmem:v40+s14+$0x0], $0xffff  }
0x3a: {  	v42 =	vld.idx.msk [tilespmem:v41+s14+$0x0], $0xffff;
	_ =	sdelay $0x2  }
0x3b: {  	v3 =	vadd.s32 $0x5000, v37  }
0x3c: {  	v2 =	vadd.s32 $0x5000, v38  }
0x3d: {  	v0 =	vsub.f32 v0, v42;
	_ =	sdelay $0x1  }
0x3e: {  	v43 =	vld [tilespmem:$0x20];
	[tilespmem:$0xC990] =	vst v0  }
0x3f: {  	v0 =	vld.idx.msk [tilespmem:v3+s14+$0x0], $0xffff  }
0x40: {  	v2 =	vld.idx.msk [tilespmem:v2+s14+$0x0], $0xffff  }
0x41: {  	v44 =	vld [tilespmem:$0xA0];
	_ =	sdelay $0x3  }
0x42: {  	v0 =	vsub.f32 v0, v2;
	_ =	sdelay $0x1  }
0x43: {  	[tilespmem:$0xCA10] =	vst v0  }
0x44: {  	v0 =	vld.idx.msk [tilespmem:v43+s14+$0x0], $0xffff  }
0x45: {  	v45 =	vld.idx.msk [tilespmem:v44+s14+$0x0], $0xffff;
	_ =	sdelay $0x2  }
0x46: {  	v46 =	vadd.s32 $0x2800, v43  }
0x47: {  	v47 =	vadd.s32 $0x2800, v44  }
0x48: {  	v0 =	vsub.f32 v0, v45;
	_ =	sdelay $0x1  }
0x49: {  	[tilespmem:$0xC920] =	vst v0  }
0x4a: {  	v0 =	vld.idx.msk [tilespmem:v46+s14+$0x0], $0xffff  }
0x4b: {  	v48 =	vld.idx.msk [tilespmem:v47+s14+$0x0], $0xffff;
	_ =	sdelay $0x2  }
0x4c: {  	v1 =	vadd.s32 $0x5000, v43  }
0x4d: {  	v3 =	vadd.s32 $0x5000, v44  }
0x4e: {  	v0 =	vsub.f32 v0, v48;
	_ =	sdelay $0x1  }
0x4f: {  	v49 =	vld [tilespmem:$0x30];
	[tilespmem:$0xC9A0] =	vst v0  }
0x50: {  	v0 =	vld.idx.msk [tilespmem:v1+s14+$0x0], $0xffff  }
0x51: {  	v50 =	vld.idx.msk [tilespmem:v3+s14+$0x0], $0xffff  }
0x52: {  	v51 =	vld [tilespmem:$0xB0];
	_ =	sdelay $0x3  }
0x53: {  	v0 =	vsub.f32 v0, v50;
	_ =	sdelay $0x1  }
0x54: {  	[tilespmem:$0xCA20] =	vst v0  }
0x55: {  	v0 =	vld.idx.msk [tilespmem:v49+s14+$0x0], $0xffff  }
0x56: {  	v52 =	vld.idx.msk [tilespmem:v51+s14+$0x0], $0xffff;
	_ =	sdelay $0x2  }
0x57: {  	v53 =	vadd.s32 $0x2800, v49  }
0x58: {  	v54 =	vadd.s32 $0x2800, v51  }
0x59: {  	v0 =	vsub.f32 v0, v52;
	_ =	sdelay $0x1  }
0x5a: {  	[tilespmem:$0xC930] =	vst v0  }
0x5b: {  	v0 =	vld.idx.msk [tilespmem:v53+s14+$0x0], $0xffff  }
0x5c: {  	v55 =	vld.idx.msk [tilespmem:v54+s14+$0x0], $0xffff;
	_ =	sdelay $0x2  }
0x5d: {  	v2 =	vadd.s32 $0x5000, v49  }
0x5e: {  	v3 =	vadd.s32 $0x5000, v51  }
0x5f: {  	v0 =	vsub.f32 v0, v55;
	_ =	sdelay $0x1  }
0x60: {  	v56 =	vld [tilespmem:$0x40];
	[tilespmem:$0xC9B0] =	vst v0  }
0x61: {  	v0 =	vld.idx.msk [tilespmem:v2+s14+$0x0], $0xffff  }
0x62: {  	v57 =	vld.idx.msk [tilespmem:v3+s14+$0x0], $0xffff  }
0x63: {  	v58 =	vld [tilespmem:$0xC0];
	_ =	sdelay $0x3  }
0x64: {  	v0 =	vsub.f32 v0, v57;
	_ =	sdelay $0x1  }
0x65: {  	[tilespmem:$0xCA30] =	vst v0  }
0x66: {  	v0 =	vld.idx.msk [tilespmem:v56+s14+$0x0], $0xffff  }
0x67: {  	v59 =	vld.idx.msk [tilespmem:v58+s14+$0x0], $0xffff;
	_ =	sdelay $0x2  }
0x68: {  	v60 =	vadd.s32 $0x2800, v56  }
0x69: {  	v61 =	vadd.s32 $0x2800, v58  }
0x6a: {  	v0 =	vsub.f32 v0, v59;
	_ =	sdelay $0x1  }
0x6b: {  	[tilespmem:$0xC940] =	vst v0  }
0x6c: {  	v0 =	vld.idx.msk [tilespmem:v60+s14+$0x0], $0xffff  }
0x6d: {  	v62 =	vld.idx.msk [tilespmem:v61+s14+$0x0], $0xffff;
	_ =	sdelay $0x2  }
0x6e: {  	v1 =	vadd.s32 $0x5000, v56  }
0x6f: {  	v3 =	vadd.s32 $0x5000, v58  }
0x70: {  	v0 =	vsub.f32 v0, v62;
	_ =	sdelay $0x1  }
0x71: {  	[tilespmem:$0xC9C0] =	vst v0  }
0x72: {  	v0 =	vld.idx.msk [tilespmem:v1+s14+$0x0], $0xffff  }
0x73: {  	v63 =	vld.idx.msk [tilespmem:v3+s14+$0x0], $0xffff;
	_ =	sdelay $0x4  }
0x74: {  	v0 =	vsub.f32 v0, v63;
	_ =	sdelay $0x1  }
0x75: {  	[tilespmem:$0xCA40] =	vst v0  }
0x76: {  	_ =	swait.ge [sflag:s20], $0x2800  }
0x77: {  	[sflag:s20] =	ssyncset.done $0x0  }
0x78: {  	[sflag:s20] =	ssyncadd.s32 $0xFFFFD800  }
0x79: {  	_ =	swait.ge [sflag:s21], $0x2800  }
0x7a: {  	[sflag:s21] =	ssyncset.done $0x0  }
0x7b: {  	s3 =	sadd.s32 $0x0, s11;
	[sflag:s21] =	ssyncadd.s32 $0xFFFFD800  }
0x7c: {  	[hbm4b:s7+s4] =	stream.linear.scatter [tilespmem:s18], [sflag:$0x3], $0x2800, $0x38;
	[tilespmem:$0xCA80] =	vst v63  }
0x7d: {  	s2 =	sadd.s32 $0x0, s10;
	s28 =	sadd.s32 $0x500, s7;
	_ =	swait.ge [sflag:s15], $0x2800  }
0x7e: {  	s29 =	sadd.s32 $0x500, s8;
	s30 =	smov.u32 s8;
	[sflag:s15] =	ssyncset.done $0x0  }
0x7f: {  	s0 =	sadd.s32 $0x0, s9;
	s26 =	simm.s32 $0xA;
	[sflag:s15] =	ssyncadd.s32 $0xFFFFD800  }
.LBB2_2:
0x80: {  	[hbm4b:s30+s4] =	stream.linear.scatter [tilespmem:s19], [sflag:$0x3], $0x2800, $0x38;
	[tilespmem:$0xCA80] =	vst v63  }
0x81: {  	s31 =	smov.u32 s26;
	s30 =	smov.u32 s29  }
0x82: {  	p0 =	sne.s32 s26, $0x4D8;
	s26 =	sadd.s32 $0xA, s26;
	_ =	swait.ge [sflag:s15], $0x2800  }
0x83: {  	[sflag:s15] =	ssyncset.done $0x0  }
0x84: {  	[sflag:s15] =	ssyncadd.s32 $0xFFFFD800  }
0x85: {  	[hbm4b:s3+s4] =	stream.linear.scatter [tilespmem:s22], [sflag:$0x3], $0x50, $0x38;
	[tilespmem:$0xCA80] =	vst v63  }
0x86: {  	_ =	swait.ge [sflag:s15], $0x50  }
0x87: {  	[sflag:s15] =	ssyncset.done $0x0  }
0x88: {  	[sflag:s15] =	ssyncadd.s32 $0xFFFFFFB0  }
0x89: {  	[hbm4b:s2+s4] =	stream.linear.scatter [tilespmem:s23], [sflag:$0x3], $0x50, $0x38;
	[tilespmem:$0xCA80] =	vst v63  }
0x8a: {  	_ =	swait.ge [sflag:s15], $0x50  }
0x8b: {  	[sflag:s15] =	ssyncset.done $0x0  }
0x8c: {  	[sflag:s15] =	ssyncadd.s32 $0xFFFFFFB0  }
0x8d: {  	[hbm4b:s0+s4] =	stream.linear.scatter [tilespmem:s24], [sflag:$0x3], $0x50, $0x38;
	[tilespmem:$0xCA80] =	vst v63  }
0x8e: {  	_ =	swait.ge [sflag:s15], $0x50  }
0x8f: {  	[sflag:s15] =	ssyncset.done $0x0  }
0x90: {  	s0 =	sadd.s32 s31, s13;
	[sflag:s15] =	ssyncadd.s32 $0xFFFFFFB0  }
0x91: {  	[tilespmem:s4], [sflag:$0x3] =	stream.linear.gather [hbm4b:s0+s4], $0x50, $0x38;
	[tilespmem:$0xCA80] =	vst v63  }
0x92: {  	_ =	swait.ge [sflag:s15], $0x50  }
0x93: {  	[sflag:s15] =	ssyncset.done $0x0  }
0x94: {  	s0 =	sadd.s32 s31, s12;
	[sflag:s15] =	ssyncadd.s32 $0xFFFFFFB0  }
0x95: {  	[tilespmem:s16], [sflag:$0x3] =	stream.linear.gather [hbm4b:s0+s4], $0x50, $0x38;
	[tilespmem:$0xCA80] =	vst v63  }
0x96: {  	_ =	swait.ge [sflag:s15], $0x50  }
0x97: {  	[sflag:s15] =	ssyncset.done $0x0  }
0x98: {  	[sflag:s15] =	ssyncadd.s32 $0xFFFFFFB0  }
0x99: {  	[tilespmem:s18], [sflag:$0x1] =	stream.indirect.gather [hbm4b:s1+s17], $0x80, s4, s17, $0xb8;
	[tilespmem:$0xCA80] =	vst v63  }
0x9a: {  	_ = 	snop  }
0x9b: {  	[tilespmem:s19], [sflag:$0x2] =	stream.indirect.gather [hbm4b:s5+s17], $0x80, s16, s17, $0xb8;
	[tilespmem:$0xCA80] =	vst v63  }
0x9c: {  	v4 =	vld [tilespmem:$0x0]  }
0x9d: {  	v5 =	vld [tilespmem:$0x80]  }
0x9e: {  	v6 =	vld [tilespmem:$0x10]  }
0x9f: {  	v7 =	vld [tilespmem:$0x90]  }
0xa0: {  	v8 =	vld [tilespmem:$0x20]  }
0xa1: {  	v9 =	vld [tilespmem:$0xA0]  }
0xa2: {  	v2 =	vld [tilespmem:$0x30]  }
0xa3: {  	v3 =	vld [tilespmem:$0xB0]  }
0xa4: {  	v10 =	vld.idx.msk [tilespmem:v4+s14+$0x0], $0xffff  }
0xa5: {  	v11 =	vld.idx.msk [tilespmem:v5+s14+$0x0], $0xffff  }
0xa6: {  	v0 =	vld [tilespmem:$0x40]  }
0xa7: {  	v1 =	vld [tilespmem:$0xC0];
	_ =	sdelay $0x1  }
0xa8: {  	v12 =	vadd.s32 $0x2800, v4;
	v13 =	vadd.s32 $0x2800, v5;
	_ =	sdelay $0x1  }
0xa9: {  	v10 =	vsub.f32 v10, v11;
	_ =	sdelay $0x1  }
0xaa: {  	[tilespmem:$0xC900] =	vst v10  }
0xab: {  	v10 =	vld.idx.msk [tilespmem:v12+s14+$0x0], $0xffff  }
0xac: {  	v11 =	vld.idx.msk [tilespmem:v13+s14+$0x0], $0xffff;
	_ =	sdelay $0x3  }
0xad: {  	v4 =	vadd.s32 $0x5000, v4;
	v5 =	vadd.s32 $0x5000, v5;
	_ =	sdelay $0x1  }
0xae: {  	v10 =	vsub.f32 v10, v11;
	_ =	sdelay $0x1  }
0xaf: {  	[tilespmem:$0xC980] =	vst v10  }
0xb0: {  	v4 =	vld.idx.msk [tilespmem:v4+s14+$0x0], $0xffff  }
0xb1: {  	v5 =	vld.idx.msk [tilespmem:v5+s14+$0x0], $0xffff;
	_ =	sdelay $0x5  }
0xb2: {  	v4 =	vsub.f32 v4, v5;
	_ =	sdelay $0x1  }
0xb3: {  	[tilespmem:$0xCA00] =	vst v4  }
0xb4: {  	v4 =	vld.idx.msk [tilespmem:v6+s14+$0x0], $0xffff  }
0xb5: {  	v5 =	vld.idx.msk [tilespmem:v7+s14+$0x0], $0xffff;
	_ =	sdelay $0x3  }
0xb6: {  	v11 =	vadd.s32 $0x2800, v7;
	v10 =	vadd.s32 $0x2800, v6;
	_ =	sdelay $0x1  }
0xb7: {  	v4 =	vsub.f32 v4, v5;
	_ =	sdelay $0x1  }
0xb8: {  	[tilespmem:$0xC910] =	vst v4  }
0xb9: {  	v4 =	vld.idx.msk [tilespmem:v10+s14+$0x0], $0xffff  }
0xba: {  	v5 =	vld.idx.msk [tilespmem:v11+s14+$0x0], $0xffff;
	_ =	sdelay $0x3  }
0xbb: {  	v6 =	vadd.s32 $0x5000, v6;
	v7 =	vadd.s32 $0x5000, v7;
	_ =	sdelay $0x1  }
0xbc: {  	v4 =	vsub.f32 v4, v5;
	_ =	sdelay $0x1  }
0xbd: {  	[tilespmem:$0xC990] =	vst v4  }
0xbe: {  	v4 =	vld.idx.msk [tilespmem:v6+s14+$0x0], $0xffff  }
0xbf: {  	v5 =	vld.idx.msk [tilespmem:v7+s14+$0x0], $0xffff;
	_ =	sdelay $0x5  }
0xc0: {  	v4 =	vsub.f32 v4, v5;
	_ =	sdelay $0x1  }
0xc1: {  	[tilespmem:$0xCA10] =	vst v4  }
0xc2: {  	v4 =	vld.idx.msk [tilespmem:v8+s14+$0x0], $0xffff  }
0xc3: {  	v5 =	vld.idx.msk [tilespmem:v9+s14+$0x0], $0xffff;
	_ =	sdelay $0x3  }
0xc4: {  	v6 =	vadd.s32 $0x2800, v8;
	v7 =	vadd.s32 $0x2800, v9;
	_ =	sdelay $0x1  }
0xc5: {  	v4 =	vsub.f32 v4, v5;
	_ =	sdelay $0x1  }
0xc6: {  	[tilespmem:$0xC920] =	vst v4  }
0xc7: {  	v4 =	vld.idx.msk [tilespmem:v6+s14+$0x0], $0xffff  }
0xc8: {  	v5 =	vld.idx.msk [tilespmem:v7+s14+$0x0], $0xffff;
	_ =	sdelay $0x3  }
0xc9: {  	v6 =	vadd.s32 $0x5000, v8;
	v7 =	vadd.s32 $0x5000, v9;
	_ =	sdelay $0x1  }
0xca: {  	v4 =	vsub.f32 v4, v5;
	_ =	sdelay $0x1  }
0xcb: {  	[tilespmem:$0xC9A0] =	vst v4  }
0xcc: {  	v4 =	vld.idx.msk [tilespmem:v6+s14+$0x0], $0xffff  }
0xcd: {  	v5 =	vld.idx.msk [tilespmem:v7+s14+$0x0], $0xffff;
	_ =	sdelay $0x5  }
0xce: {  	v4 =	vsub.f32 v4, v5;
	_ =	sdelay $0x1  }
0xcf: {  	[tilespmem:$0xCA20] =	vst v4  }
0xd0: {  	v4 =	vld.idx.msk [tilespmem:v2+s14+$0x0], $0xffff  }
0xd1: {  	v5 =	vld.idx.msk [tilespmem:v3+s14+$0x0], $0xffff;
	_ =	sdelay $0x3  }
0xd2: {  	v6 =	vadd.s32 $0x2800, v2;
	v7 =	vadd.s32 $0x2800, v3;
	_ =	sdelay $0x1  }
0xd3: {  	v4 =	vsub.f32 v4, v5;
	_ =	sdelay $0x1  }
0xd4: {  	[tilespmem:$0xC930] =	vst v4  }
0xd5: {  	v4 =	vld.idx.msk [tilespmem:v6+s14+$0x0], $0xffff  }
0xd6: {  	v5 =	vld.idx.msk [tilespmem:v7+s14+$0x0], $0xffff;
	_ =	sdelay $0x3  }
0xd7: {  	v2 =	vadd.s32 $0x5000, v2;
	v3 =	vadd.s32 $0x5000, v3;
	_ =	sdelay $0x1  }
0xd8: {  	v4 =	vsub.f32 v4, v5;
	_ =	sdelay $0x1  }
0xd9: {  	[tilespmem:$0xC9B0] =	vst v4  }
0xda: {  	v2 =	vld.idx.msk [tilespmem:v2+s14+$0x0], $0xffff  }
0xdb: {  	v3 =	vld.idx.msk [tilespmem:v3+s14+$0x0], $0xffff;
	_ =	sdelay $0x5  }
0xdc: {  	v2 =	vsub.f32 v2, v3;
	_ =	sdelay $0x1  }
0xdd: {  	[tilespmem:$0xCA30] =	vst v2  }
0xde: {  	v2 =	vld.idx.msk [tilespmem:v0+s14+$0x0], $0xffff  }
0xdf: {  	v3 =	vld.idx.msk [tilespmem:v1+s14+$0x0], $0xffff;
	_ =	sdelay $0x3  }
0xe0: {  	v5 =	vadd.s32 $0x2800, v1;
	v4 =	vadd.s32 $0x2800, v0;
	_ =	sdelay $0x1  }
0xe1: {  	v2 =	vsub.f32 v2, v3;
	_ =	sdelay $0x1  }
0xe2: {  	[tilespmem:$0xC940] =	vst v2  }
0xe3: {  	v2 =	vld.idx.msk [tilespmem:v4+s14+$0x0], $0xffff  }
0xe4: {  	v3 =	vld.idx.msk [tilespmem:v5+s14+$0x0], $0xffff;
	_ =	sdelay $0x3  }
0xe5: {  	v0 =	vadd.s32 $0x5000, v0;
	v1 =	vadd.s32 $0x5000, v1;
	_ =	sdelay $0x1  }
0xe6: {  	v2 =	vsub.f32 v2, v3;
	_ =	sdelay $0x1  }
0xe7: {  	[tilespmem:$0xC9C0] =	vst v2  }
0xe8: {  	v0 =	vld.idx.msk [tilespmem:v0+s14+$0x0], $0xffff  }
0xe9: {  	v1 =	vld.idx.msk [tilespmem:v1+s14+$0x0], $0xffff;
	_ =	sdelay $0x5  }
0xea: {  	v0 =	vsub.f32 v0, v1  }
0xeb: {  	s3 =	sadd.s32 s31, s11  }
0xec: {  	[tilespmem:$0xCA40] =	vst v0  }
0xed: {  	_ =	swait.ge [sflag:s20], $0x2800  }
0xee: {  	[sflag:s20] =	ssyncset.done $0x0  }
0xef: {  	s2 =	sadd.s32 s31, s10;
	[sflag:s20] =	ssyncadd.s32 $0xFFFFD800  }
0xf0: {  	_ =	swait.ge [sflag:s21], $0x2800  }
0xf1: {  	[sflag:s21] =	ssyncset.done $0x0  }
.Ltmp0:
0xf2: {  	s0 =	sadd.s32 s31, s9;
	[sflag:s21] =	ssyncadd.s32 $0xFFFFD800;
	(pc) =	sbr.rel @p0 .LBB2_2-.Ltmp0, $4  }
0xf3: {  	[hbm4b:s28+s4] =	stream.linear.scatter [tilespmem:s18], [sflag:$0x3], $0x2800, $0x38;
	[tilespmem:$0xCA80] =	vst v63  }
0xf4: {  	_ =	swait.ge [sflag:s15], $0x2800  }
0xf5: {  	[sflag:s15] =	ssyncset.done $0x0  }
0xf6: {  	s29 =	sadd.s32 $0x500, s29;
	s28 =	sadd.s32 $0x500, s28;
	[sflag:s15] =	ssyncadd.s32 $0xFFFFD800  }
0xf7: {  	[hbm4b:s30+s4] =	stream.linear.scatter [tilespmem:s19], [sflag:$0x3], $0x2800, $0x38;
	[tilespmem:$0xCA80] =	vst v63  }
0xf8: {  	_ =	swait.ge [sflag:s15], $0x2800  }
0xf9: {  	[sflag:s15] =	ssyncset.done $0x0  }
0xfa: {  	[sflag:s15] =	ssyncadd.s32 $0xFFFFD800  }
0xfb: {  	[hbm4b:s3+s4] =	stream.linear.scatter [tilespmem:s22], [sflag:$0x3], $0x50, $0x38;
	[tilespmem:$0xCA80] =	vst v63  }
0xfc: {  	_ =	swait.ge [sflag:s15], $0x50  }
0xfd: {  	[sflag:s15] =	ssyncset.done $0x0  }
0xfe: {  	[sflag:s15] =	ssyncadd.s32 $0xFFFFFFB0  }
0xff: {  	[hbm4b:s2+s4] =	stream.linear.scatter [tilespmem:s23], [sflag:$0x3], $0x50, $0x38;
	[tilespmem:$0xCA80] =	vst v63  }
0x100: {  	s25 =	sadd.s32 $0x1, s25;
	_ =	swait.ge [sflag:s15], $0x50  }
0x101: {  	p0 =	sne.s32 s25, s6;
	[sflag:s15] =	ssyncset.done $0x0  }
.Ltmp1:
0x102: {  	[sflag:s15] =	ssyncadd.s32 $0xFFFFFFB0;
	(pc) =	sbr.rel @p0 .LBB2_1-.Ltmp1, $4  }
0x103: {  	[hbm4b:s0+s4] =	stream.linear.scatter [tilespmem:s24], [sflag:$0x3], $0x50, $0x38;
	[tilespmem:$0xCA80] =	vst v63  }
0x104: {  	_ =	swait.ge [sflag:s15], $0x50  }
0x105: {  	[sflag:s15] =	ssyncset.done $0x0  }
0x106: {  	[sflag:s15] =	ssyncadd.s32 $0xFFFFFFB0  }
0x107: {  	_ =	sfence.sel $0x180000  }
0x108: {  	[bflag:$0x0] =	sbarrier.arrive $0xFFFF  }
0x109: {  	_ =	strace $0x90000047  }
0x10a: {  	s0 =	stileid.u32;
	[bflag:$0x2] =	sbarrier.arrive $0xFFFF  }
0x10b: {  	p0 =	sne.s32 s0, $0x0;
	s0 =	rddreg [dreg:$0x3]  }
0x10c: {  	s0 =	sadd.s32 @!p0 $0x100000, s0  }
0x10d: {  	[sflag:s0] =	ssyncadd.tile.s32 @!p0 $0x1;
	_ =	shalt  }
.Lfunc_end2:
_tile_overlayer_lowered:
.L_overlay_start_2:
0x10e: {  	(tag) =	ssettag $0x2  }
0x10f: {  	s0 =	rddreg [dreg:$0x0];
	s2 =	stileid.u32  }
0x110: {  	s1 =	rddreg [dreg:$0x1];
	p0 =	sne.s32 s2, $0x0  }
0x111: {  	s3 =	rddreg [dreg:$0x2];
	[bflag:$0x3] =	sbarrier.arrive $0xFFFF;
	s2 =	simm.s32 @!p0 $0x1C03  }
0x112: {  	[timem:s3], [sflag:s2] =	dma.local @!p0 [hbm:s0], s1  }
0x113: {  	s0 =	simm.s32 @!p0 $0x3  }
0x114: {  	_ =	swait.ge @!p0 [sflag:s0], s1  }
0x115: {  	s1 =	ssub.s32 @!p0 $0x0, s1;
	[sflag:s0] =	ssyncset.done @!p0 $0x0  }
0x116: {  	[sflag:s0] =	ssyncadd.s32 @!p0 s1  }
0x117: {  	[bflag:$0x3] =	sbarrier.arrive $0xFFFF  }
0x118: {  	_ =	shalt  }

</sc_bundles>
